<compile_context>
chip_gen: v7x
topology: tpu7x:2x2x1
jax: 0.10.2.dev20260603
libtpu: 0.0.44.dev20260713+nightly
codegen_flags: <defaults>
</compile_context>

<pallas_src>
import functools

import jax
import jax.numpy as jnp
from jax import lax
from jax.experimental import pallas as pl
from jax.experimental.pallas import tpu as pltpu
from jax.experimental.pallas import tpu_sc as plsc

N = 10000
E = 320000
D = 128
NPAD = 10240
CHUNK = 128
NUM_CHUNKS = E // CHUNK
TILES = 32
CHUNK_ITERS = -(-NUM_CHUNKS // TILES)
RPT = NPAD // 16
BLK = 512
GRID = -(-NPAD // BLK)


def _vmesh():
    return plsc.VectorSubcoreMesh(core_axis_name="c", subcore_axis_name="s")


def _sc_degree(col):

    @functools.partial(
        pl.kernel,
        out_type=jax.ShapeDtypeStruct((2 * NPAD, 16), jnp.float32),
        mesh=_vmesh(),
        scratch_types=[
            pltpu.VMEM_SHARED((NPAD, 16), jnp.float32),
            pltpu.VMEM((128, 16), jnp.float32),
            pltpu.VMEM((CHUNK, 16), jnp.float32),
            pltpu.VMEM((CHUNK,), jnp.int32),
        ],
    )
    def deg_kernel(col_hbm, out_hbm, dacc, zbuf, ones, coli):
        c = lax.axis_index("c")
        s = lax.axis_index("s")
        wid = s * 2 + c

        @pl.loop(0, 128)
        def _(i):
            zbuf[i] = jnp.zeros((16,), jnp.float32)
            ones[i] = jnp.ones((16,), jnp.float32)

        @pl.loop(0, RPT // 128)
        def _(k):
            pltpu.sync_copy(zbuf, dacc.at[pl.ds(s * RPT + k * 128, 128)])

        plsc.subcore_barrier()

        @pl.loop(0, CHUNK_ITERS)
        def _(i):
            j = wid + i * TILES

            @pl.when(j < NUM_CHUNKS)
            def _():
                pltpu.sync_copy(col_hbm.at[pl.ds(j * CHUNK, CHUNK)], coli)
                pltpu.sync_copy(ones, dacc.at[coli], add=True)

        plsc.subcore_barrier()
        pltpu.sync_copy(
            dacc.at[pl.ds(s * RPT, RPT)],
            out_hbm.at[pl.ds(c * NPAD + s * RPT, RPT)],
        )

    return deg_kernel(col)


def _sc_scatter(row, col, h2):

    @functools.partial(
        pl.kernel,
        out_type=jax.ShapeDtypeStruct((2 * NPAD, D), jnp.float32),
        mesh=_vmesh(),
        scratch_types=[
            pltpu.VMEM_SHARED((NPAD, D), jnp.float32),
            pltpu.VMEM((128, D), jnp.float32),
            pltpu.VMEM((CHUNK,), jnp.int32),
            pltpu.VMEM((CHUNK,), jnp.int32),
            pltpu.VMEM((CHUNK, D), jnp.float32),
            pltpu.SemaphoreType.DMA,
        ],
    )
    def scat_kernel(row_hbm, col_hbm, h2_hbm, out_hbm, acc, zbuf, rowi, coli, rows, sem):
        c = lax.axis_index("c")
        s = lax.axis_index("s")
        wid = s * 2 + c

        @pl.loop(0, 128)
        def _(i):
            @pl.loop(0, D, step=16)
            def _(j):
                zbuf[i, pl.ds(j, 16)] = jnp.zeros((16,), jnp.float32)

        @pl.loop(0, RPT // 128)
        def _(k):
            pltpu.sync_copy(zbuf, acc.at[pl.ds(s * RPT + k * 128, 128)])

        plsc.subcore_barrier()

        @pl.loop(0, CHUNK_ITERS)
        def _(i):
            j = wid + i * TILES

            @pl.when(j < NUM_CHUNKS)
            def _():
                pltpu.sync_copy(row_hbm.at[pl.ds(j * CHUNK, CHUNK)], rowi)
                pltpu.sync_copy(col_hbm.at[pl.ds(j * CHUNK, CHUNK)], coli)
                pltpu.async_copy(h2_hbm.at[rowi], rows, sem).wait()
                pltpu.sync_copy(rows, acc.at[coli], add=True)

        plsc.subcore_barrier()
        pltpu.sync_copy(
            acc.at[pl.ds(s * RPT, RPT)],
            out_hbm.at[pl.ds(c * NPAD + s * RPT, RPT)],
        )

    return scat_kernel(row, col, h2)


def _tc_h2(x, w, degp):

    def body(x_ref, w_ref, d0_ref, d1_ref, h2_ref):
        d = d0_ref[:, 0:1] + d1_ref[:, 0:1] + 1.0
        dis = lax.rsqrt(d)
        h = jnp.dot(x_ref[...], w_ref[...], preferred_element_type=jnp.float32)
        h2_ref[...] = h * dis

    return pl.pallas_call(
        body,
        grid=(GRID,),
        in_specs=[
            pl.BlockSpec((BLK, 128), lambda i: (i, 0)),
            pl.BlockSpec((128, 128), lambda i: (0, 0)),
            pl.BlockSpec((BLK, 16), lambda i: (i, 0)),
            pl.BlockSpec((BLK, 16), lambda i: (i + GRID, 0)),
        ],
        out_specs=pl.BlockSpec((BLK, 128), lambda i: (i, 0)),
        out_shape=jax.ShapeDtypeStruct((N, 128), jnp.float32),
    )(x, w, degp, degp)


def _tc_final(tmp, h2, degp, bmu, bls):

    def body(t0, t1, h2r, d0, d1, bm, bl, mu_ref, ls_ref):
        d = d0[:, 0:1] + d1[:, 0:1] + 1.0
        dis = lax.rsqrt(d)
        out = dis * (t0[...] + t1[...] + h2r[...])
        mu_ref[...] = out[:, :64] + bm[0:1, :]
        ls_ref[...] = out[:, 64:] + bl[0:1, :]

    return pl.pallas_call(
        body,
        grid=(GRID,),
        in_specs=[
            pl.BlockSpec((BLK, 128), lambda i: (i, 0)),
            pl.BlockSpec((BLK, 128), lambda i: (i + GRID, 0)),
            pl.BlockSpec((BLK, 128), lambda i: (i, 0)),
            pl.BlockSpec((BLK, 16), lambda i: (i, 0)),
            pl.BlockSpec((BLK, 16), lambda i: (i + GRID, 0)),
            pl.BlockSpec((8, 64), lambda i: (0, 0)),
            pl.BlockSpec((8, 64), lambda i: (0, 0)),
        ],
        out_specs=[
            pl.BlockSpec((BLK, 64), lambda i: (i, 0)),
            pl.BlockSpec((BLK, 64), lambda i: (i, 0)),
        ],
        out_shape=[
            jax.ShapeDtypeStruct((N, 64), jnp.float32),
            jax.ShapeDtypeStruct((N, 64), jnp.float32),
        ],
    )(tmp, tmp, h2, degp, degp, bmu, bls)


def kernel(x, edge_index, W_mu, b_mu, W_logstd, b_logstd):
    w = jnp.concatenate([W_mu, W_logstd], axis=1)
    row = edge_index[0]
    col = edge_index[1]
    bmu = jnp.tile(b_mu[None, :], (8, 1))
    bls = jnp.tile(b_logstd[None, :], (8, 1))
    degp = _sc_degree(col)
    h2 = _tc_h2(x, w, degp)
    tmp = _sc_scatter(row, col, h2)
    mu, logstd = _tc_final(tmp, h2, degp, bmu, bls)
    return (mu, logstd)

# --- scband reference (transcript-rebuilt; emitter-appended) ---
"""Pipeline reference for scband-variational-linear-encoder-21835613733039 (READ-ONLY COPY).

The authoritative reference and input builder live on the scoring server;
editing this copy changes nothing except your own understanding.
"""

import jax, jax.numpy as jnp
import numpy as np

N = 10000
E = 320000
D_IN = 128
D_OUT = 64


def gcn_conv(x, edge_index, W, b, num_nodes):
    # Faithful PyG GCNConv (add_self_loops=True, normalize=True, symmetric norm)
    row = edge_index[0]
    col = edge_index[1]
    loop = jnp.arange(num_nodes, dtype=edge_index.dtype)
    row = jnp.concatenate([row, loop])
    col = jnp.concatenate([col, loop])
    ew = jnp.ones(row.shape[0], dtype=x.dtype)
    deg = jax.ops.segment_sum(ew, col, num_segments=num_nodes)
    deg_inv_sqrt = jnp.where(deg > 0, 1.0 / jnp.sqrt(deg), 0.0)
    norm = deg_inv_sqrt[row] * deg_inv_sqrt[col]
    h = x @ W  # linear transform (no bias inside lin)
    msg = norm[:, None] * jnp.take(h, row, axis=0)  # gather + scale
    out = jax.ops.segment_sum(msg, col, num_segments=num_nodes)  # scatter-add
    return out + b


def setup_inputs(seed: int = 0) -> dict:
    key = jax.random.key(seed)
    k1, k2, k3, k4 = jax.random.split(key, 4)
    x = jax.random.normal(k1, (N, D_IN), dtype=jnp.float32)
    edge_index = jax.random.randint(k2, (2, E), 0, N, dtype=jnp.int32)
    scale = float(np.sqrt(6.0 / (D_IN + D_OUT)))
    W_mu = jax.random.uniform(k3, (D_IN, D_OUT), minval=-scale, maxval=scale, dtype=jnp.float32)
    W_logstd = jax.random.uniform(k4, (D_IN, D_OUT), minval=-scale, maxval=scale, dtype=jnp.float32)
    b_mu = jnp.zeros((D_OUT,), dtype=jnp.float32)
    b_logstd = jnp.zeros((D_OUT,), dtype=jnp.float32)
    return {"x": x, "edge_index": edge_index, "W_mu": W_mu, "b_mu": b_mu, "W_logstd": W_logstd, "b_logstd": b_logstd}


def reference(x, edge_index, W_mu, b_mu, W_logstd, b_logstd):
    mu = gcn_conv(x, edge_index, W_mu, b_mu, N)
    logstd = gcn_conv(x, edge_index, W_logstd, b_logstd, N)
    return (mu, logstd)

if __name__ == "__main__":
    import jax
    _d = setup_inputs()
    print(jax.jit(kernel)(*tuple(_d.values())))

</pallas_src>

<mosaic_0001>
#map = affine_map<(d0, d1) -> (0)>
#map1 = affine_map<(d0, d1) -> (0, 0)>
module attributes {stable_mosaic.version = 14 : i64} {
  func.func @scat_kernel(%arg0: i32, %arg1: i32, %arg2: memref<320000xi32, #tpu.memory_space<hbm>>, %arg3: memref<320000xi32, #tpu.memory_space<hbm>>, %arg4: memref<10000x128xf32, #tpu.memory_space<hbm>>, %arg5: memref<20480x128xf32, #tpu.memory_space<hbm>>, %arg6: memref<10240x128xf32, #tpu.memory_space<vmem_shared>>, %arg7: memref<128x128xf32, #tpu.memory_space<vmem>>, %arg8: memref<128xi32, #tpu.memory_space<vmem>>, %arg9: memref<128xi32, #tpu.memory_space<vmem>>, %arg10: memref<128x128xf32, #tpu.memory_space<vmem>>, %arg11: memref<!tpu.dma_semaphore, #tpu.memory_space<semaphore_mem>>) attributes {dimension_semantics = [#tpu.dimension_semantics<core_parallel>, #tpu.dimension_semantics<subcore_parallel>], iteration_bounds = array<i64: 2, 16>, scalar_prefetch = 0 : i64, scratch_operands = 6 : i64, tpu.core_type = #tpu.core_type<sc_vector_subcore>, window_params = [{transform_indices = #map}, {transform_indices = #map}, {transform_indices = #map1}, {transform_indices = #map1}]} {
    %mul3A = arith.constant 2 : i32
    %mul3A_0 = arith.muli %arg1, %mul3A : i32
    %add3A = arith.addi %mul3A_0, %arg0 : i32
    %scan3A = arith.constant 0 : i32
    %scan3A_1 = arith.constant 128 : i32
    %scan3A_2 = arith.addi %scan3A, %scan3A_1 : i32
    %scan3A_3 = arith.constant 1 : i32
    scf.for %scan3A_23 = %scan3A to %scan3A_2 step %scan3A_3  : i32 {
      %mul3A_24 = arith.constant 1 : i32
      %mul3A_25 = arith.muli %scan3A_23, %mul3A_24 : i32
      %add3A_26 = arith.constant 0 : i32
      %add3A_27 = arith.addi %add3A_26, %mul3A_25 : i32
      %scan3A_28 = arith.constant 0 : i32
      %scan3A_29 = arith.constant 8 : i32
      %scan3A_30 = arith.addi %scan3A_28, %scan3A_29 : i32
      %scan3A_31 = arith.constant 1 : i32
      scf.for %scan3A_33 = %scan3A_28 to %scan3A_30 step %scan3A_31  : i32 {
        %mul3A_34 = arith.constant 16 : i32
        %mul3A_35 = arith.muli %scan3A_33, %mul3A_34 : i32
        %add3A_36 = arith.constant 0 : i32
        %add3A_37 = arith.addi %add3A_36, %mul3A_35 : i32
        %broadcast_in_dim3A = arith.constant 0.000000e+00 : f32
        %broadcast_in_dim3A_38 = vector.broadcast %broadcast_in_dim3A : f32 to vector<16xf32>
        %swap3A = arith.index_cast %add3A_27 : i32 to index
        %swap3A_39 = arith.index_cast %add3A_37 : i32 to index
        %swap3A_40 = tpu.vector_load %arg7[%swap3A, %swap3A_39] {strides = array<i32>} : memref<128x128xf32, #tpu.memory_space<vmem>>, vector<1x16xf32>,
        %swap3A_41 = vector.shape_cast %swap3A_40 : vector<1x16xf32> to vector<16xf32>
        %swap3A_42 = vector.shape_cast %broadcast_in_dim3A_38 : vector<16xf32> to vector<1x16xf32>
        tpu.vector_store %arg7[%swap3A, %swap3A_39], %swap3A_42 {strides = array<i32>} : memref<128x128xf32, #tpu.memory_space<vmem>>, vector<1x16xf32>,
      }
      %scan3A_32 = arith.constant 8 : i32
    }
    %scan3A_4 = arith.constant 128 : i32
    %scan3A_5 = arith.constant 0 : i32
    %scan3A_6 = arith.constant 5 : i32
    %scan3A_7 = arith.addi %scan3A_5, %scan3A_6 : i32
    %scan3A_8 = arith.constant 1 : i32
    scf.for %scan3A_23 = %scan3A_5 to %scan3A_7 step %scan3A_8  : i32 {
      %mul3A_24 = arith.constant 1 : i32
      %mul3A_25 = arith.muli %scan3A_23, %mul3A_24 : i32
      %add3A_26 = arith.constant 0 : i32
      %add3A_27 = arith.addi %add3A_26, %mul3A_25 : i32
      %mul3A_28 = arith.constant 640 : i32
      %mul3A_29 = arith.muli %arg1, %mul3A_28 : i32
      %mul3A_30 = arith.constant 128 : i32
      %mul3A_31 = arith.muli %add3A_27, %mul3A_30 : i32
      %add3A_32 = arith.addi %mul3A_29, %mul3A_31 : i32
      "tpu.region"() ({
        %run_scoped3A = tpu.sem_alloc : memref<!tpu.dma_semaphore, #tpu.memory_space<semaphore_mem>>
        %dma_start3A = arith.constant 0 : i32
        %dma_start3A_33 = tpu.memref_slice %arg6[%add3A_32, %dma_start3A] : memref<10240x128xf32, #tpu.memory_space<vmem_shared>> -> memref<128x128xf32, #tpu.memory_space<vmem_shared>>
        %dma_start3A_34 = arith.constant 0 : i32
        %dma_start3A_35 = tpu.memref_slice %arg6[%add3A_32, %dma_start3A_34] : memref<10240x128xf32, #tpu.memory_space<vmem_shared>> -> memref<128x128xf32, #tpu.memory_space<vmem_shared>>
        tpu.enqueue_dma source(%arg7 : memref<128x128xf32, #tpu.memory_space<vmem>>) target(%dma_start3A_35 : memref<128x128xf32, #tpu.memory_space<vmem_shared>>) target_semaphore(%run_scoped3A : memref<!tpu.dma_semaphore, #tpu.memory_space<semaphore_mem>>)
        %dma_wait3A = arith.constant 0 : i32
        %dma_wait3A_36 = tpu.memref_slice %arg6[%add3A_32, %dma_wait3A] : memref<10240x128xf32, #tpu.memory_space<vmem_shared>> -> memref<128x128xf32, #tpu.memory_space<vmem_shared>>
        %dma_wait3A_37 = arith.constant 0 : i32
        %dma_wait3A_38 = tpu.memref_slice %arg6[%add3A_32, %dma_wait3A_37] : memref<10240x128xf32, #tpu.memory_space<vmem_shared>> -> memref<128x128xf32, #tpu.memory_space<vmem_shared>>
        tpu.wait_dma2 semaphore(%run_scoped3A : memref<!tpu.dma_semaphore, #tpu.memory_space<semaphore_mem>>) src(%arg7 : memref<128x128xf32, #tpu.memory_space<vmem>>) dst(%dma_wait3A_38 : memref<128x128xf32, #tpu.memory_space<vmem_shared>>)
        tpu.yield
      }) : () -> ()
    }
    %scan3A_9 = arith.constant 5 : i32
    %barrier3A = arith.constant 0 : index
    tpu.barrier barrier_id(%barrier3A)
    %scan3A_10 = arith.constant 0 : i32
    %scan3A_11 = arith.constant 79 : i32
    %scan3A_12 = arith.addi %scan3A_10, %scan3A_11 : i32
    %scan3A_13 = arith.constant 1 : i32
    scf.for %scan3A_23 = %scan3A_10 to %scan3A_12 step %scan3A_13  : i32 {
      %mul3A_24 = arith.constant 1 : i32
      %mul3A_25 = arith.muli %scan3A_23, %mul3A_24 : i32
      %add3A_26 = arith.constant 0 : i32
      %add3A_27 = arith.addi %add3A_26, %mul3A_25 : i32
      %mul3A_28 = arith.constant 32 : i32
      %mul3A_29 = arith.muli %add3A_27, %mul3A_28 : i32
      %add3A_30 = arith.addi %add3A, %mul3A_29 : i32
      %lt3A = arith.constant 2500 : i32
      %lt3A_31 = arith.cmpi slt, %add3A_30, %lt3A : i32
      %convert_element_type3A = arith.extui %lt3A_31 : i1 to i32
      %cond3A = arith.constant 0 : i32
      %cond3A_32 = arith.cmpi ne, %convert_element_type3A, %cond3A : i32
      scf.if %cond3A_32 {
        %mul3A_33 = arith.constant 128 : i32
        %mul3A_34 = arith.muli %add3A_30, %mul3A_33 : i32
        "tpu.region"() ({
          %run_scoped3A = tpu.sem_alloc : memref<!tpu.dma_semaphore, #tpu.memory_space<semaphore_mem>>
          %dma_start3A_41 = tpu.memref_slice %arg2[%mul3A_34] : memref<320000xi32, #tpu.memory_space<hbm>> -> memref<128xi32, #tpu.memory_space<hbm>>
          %dma_start3A_42 = tpu.memref_slice %arg2[%mul3A_34] : memref<320000xi32, #tpu.memory_space<hbm>> -> memref<128xi32, #tpu.memory_space<hbm>>
          tpu.enqueue_dma source(%dma_start3A_42 : memref<128xi32, #tpu.memory_space<hbm>>) target(%arg8 : memref<128xi32, #tpu.memory_space<vmem>>) target_semaphore(%run_scoped3A : memref<!tpu.dma_semaphore, #tpu.memory_space<semaphore_mem>>)
          %dma_wait3A_43 = tpu.memref_slice %arg2[%mul3A_34] : memref<320000xi32, #tpu.memory_space<hbm>> -> memref<128xi32, #tpu.memory_space<hbm>>
          %dma_wait3A_44 = tpu.memref_slice %arg2[%mul3A_34] : memref<320000xi32, #tpu.memory_space<hbm>> -> memref<128xi32, #tpu.memory_space<hbm>>
          tpu.wait_dma2 semaphore(%run_scoped3A : memref<!tpu.dma_semaphore, #tpu.memory_space<semaphore_mem>>) src(%dma_wait3A_44 : memref<128xi32, #tpu.memory_space<hbm>>) dst(%arg8 : memref<128xi32, #tpu.memory_space<vmem>>)
          tpu.yield
        }) : () -> ()
        %mul3A_35 = arith.constant 128 : i32
        %mul3A_36 = arith.muli %add3A_30, %mul3A_35 : i32
        "tpu.region"() ({
          %run_scoped3A = tpu.sem_alloc : memref<!tpu.dma_semaphore, #tpu.memory_space<semaphore_mem>>
          %dma_start3A_41 = tpu.memref_slice %arg3[%mul3A_36] : memref<320000xi32, #tpu.memory_space<hbm>> -> memref<128xi32, #tpu.memory_space<hbm>>
          %dma_start3A_42 = tpu.memref_slice %arg3[%mul3A_36] : memref<320000xi32, #tpu.memory_space<hbm>> -> memref<128xi32, #tpu.memory_space<hbm>>
          tpu.enqueue_dma source(%dma_start3A_42 : memref<128xi32, #tpu.memory_space<hbm>>) target(%arg9 : memref<128xi32, #tpu.memory_space<vmem>>) target_semaphore(%run_scoped3A : memref<!tpu.dma_semaphore, #tpu.memory_space<semaphore_mem>>)
          %dma_wait3A_43 = tpu.memref_slice %arg3[%mul3A_36] : memref<320000xi32, #tpu.memory_space<hbm>> -> memref<128xi32, #tpu.memory_space<hbm>>
          %dma_wait3A_44 = tpu.memref_slice %arg3[%mul3A_36] : memref<320000xi32, #tpu.memory_space<hbm>> -> memref<128xi32, #tpu.memory_space<hbm>>
          tpu.wait_dma2 semaphore(%run_scoped3A : memref<!tpu.dma_semaphore, #tpu.memory_space<semaphore_mem>>) src(%dma_wait3A_44 : memref<128xi32, #tpu.memory_space<hbm>>) dst(%arg9 : memref<128xi32, #tpu.memory_space<vmem>>)
          tpu.yield
        }) : () -> ()
        %dma_start3A = arith.constant 0 : i32
        %dma_start3A_37 = arith.constant 0 : i32
        %dma_start3A_38 = tpu.memref_slice %arg4[%dma_start3A, %dma_start3A_37] : memref<10000x128xf32, #tpu.memory_space<hbm>> -> memref<10000x128xf32, #tpu.memory_space<hbm>>
        tpu.enqueue_indirect_dma source(%dma_start3A_38 : memref<10000x128xf32, #tpu.memory_space<hbm>>) target(%arg10 : memref<128x128xf32, #tpu.memory_space<vmem>>) offsets(%arg8 : memref<128xi32, #tpu.memory_space<vmem>>) semaphore(%arg11 : memref<!tpu.dma_semaphore, #tpu.memory_space<semaphore_mem>>)
        %dma_wait3A = arith.constant 0 : i32
        %dma_wait3A_39 = arith.constant 0 : i32
        %dma_wait3A_40 = tpu.memref_slice %arg4[%dma_wait3A, %dma_wait3A_39] : memref<10000x128xf32, #tpu.memory_space<hbm>> -> memref<10000x128xf32, #tpu.memory_space<hbm>>
        tpu.wait_indirect_dma semaphore(%arg11 : memref<!tpu.dma_semaphore, #tpu.memory_space<semaphore_mem>>) src(%dma_wait3A_40 : memref<10000x128xf32, #tpu.memory_space<hbm>>) dst(%arg10 : memref<128x128xf32, #tpu.memory_space<vmem>>)
        "tpu.region"() ({
          %run_scoped3A = tpu.sem_alloc : memref<!tpu.dma_semaphore, #tpu.memory_space<semaphore_mem>>
          %dma_start3A_41 = arith.constant 0 : i32
          %dma_start3A_42 = arith.constant 0 : i32
          %dma_start3A_43 = tpu.memref_slice %arg6[%dma_start3A_41, %dma_start3A_42] : memref<10240x128xf32, #tpu.memory_space<vmem_shared>> -> memref<10240x128xf32, #tpu.memory_space<vmem_shared>>
          tpu.enqueue_indirect_dma source(%arg10 : memref<128x128xf32, #tpu.memory_space<vmem>>) target(%dma_start3A_43 : memref<10240x128xf32, #tpu.memory_space<vmem_shared>>) offsets(%arg9 : memref<128xi32, #tpu.memory_space<vmem>>) semaphore(%run_scoped3A : memref<!tpu.dma_semaphore, #tpu.memory_space<semaphore_mem>>) {add = true}
          %dma_wait3A_44 = arith.constant 0 : i32
          %dma_wait3A_45 = arith.constant 0 : i32
          %dma_wait3A_46 = tpu.memref_slice %arg6[%dma_wait3A_44, %dma_wait3A_45] : memref<10240x128xf32, #tpu.memory_space<vmem_shared>> -> memref<10240x128xf32, #tpu.memory_space<vmem_shared>>
          tpu.wait_indirect_dma semaphore(%run_scoped3A : memref<!tpu.dma_semaphore, #tpu.memory_space<semaphore_mem>>) src(%arg10 : memref<128x128xf32, #tpu.memory_space<vmem>>) dst(%dma_wait3A_46 : memref<10240x128xf32, #tpu.memory_space<vmem_shared>>)
          tpu.yield
        }) : () -> ()
      } else {
      }
    }
    %scan3A_14 = arith.constant 79 : i32
    %barrier3A_15 = arith.constant 0 : index
    tpu.barrier barrier_id(%barrier3A_15)
    %mul3A_16 = arith.constant 640 : i32
    %mul3A_17 = arith.muli %arg1, %mul3A_16 : i32
    %mul3A_18 = arith.constant 10240 : i32
    %mul3A_19 = arith.muli %arg0, %mul3A_18 : i32
    %mul3A_20 = arith.constant 640 : i32
    %mul3A_21 = arith.muli %arg1, %mul3A_20 : i32
    %add3A_22 = arith.addi %mul3A_19, %mul3A_21 : i32
    "tpu.region"() ({
      %run_scoped3A = tpu.sem_alloc : memref<!tpu.dma_semaphore, #tpu.memory_space<semaphore_mem>>
      %dma_start3A = arith.constant 0 : i32
      %dma_start3A_23 = tpu.memref_slice %arg5[%add3A_22, %dma_start3A] : memref<20480x128xf32, #tpu.memory_space<hbm>> -> memref<640x128xf32, #tpu.memory_space<hbm>>
      %dma_start3A_24 = arith.constant 0 : i32
      %dma_start3A_25 = tpu.memref_slice %arg6[%mul3A_17, %dma_start3A_24] : memref<10240x128xf32, #tpu.memory_space<vmem_shared>> -> memref<640x128xf32, #tpu.memory_space<vmem_shared>>
      tpu.enqueue_dma source(%dma_start3A_25 : memref<640x128xf32, #tpu.memory_space<vmem_shared>>) target(%dma_start3A_23 : memref<640x128xf32, #tpu.memory_space<hbm>>) target_semaphore(%run_scoped3A : memref<!tpu.dma_semaphore, #tpu.memory_space<semaphore_mem>>)
      %dma_wait3A = arith.constant 0 : i32
      %dma_wait3A_26 = tpu.memref_slice %arg5[%add3A_22, %dma_wait3A] : memref<20480x128xf32, #tpu.memory_space<hbm>> -> memref<640x128xf32, #tpu.memory_space<hbm>>
      %dma_wait3A_27 = arith.constant 0 : i32
      %dma_wait3A_28 = tpu.memref_slice %arg6[%mul3A_17, %dma_wait3A_27] : memref<10240x128xf32, #tpu.memory_space<vmem_shared>> -> memref<640x128xf32, #tpu.memory_space<vmem_shared>>
      tpu.wait_dma2 semaphore(%run_scoped3A : memref<!tpu.dma_semaphore, #tpu.memory_space<semaphore_mem>>) src(%dma_wait3A_28 : memref<640x128xf32, #tpu.memory_space<vmem_shared>>) dst(%dma_wait3A_26 : memref<640x128xf32, #tpu.memory_space<hbm>>)
      tpu.yield
    }) : () -> ()
    return
  }
}

#map = affine_map<(d0, d1) -> (0)>
#map1 = affine_map<(d0, d1) -> (0, 0)>
module attributes {stable_mosaic.version = 14 : i64} {
  func.func @deg_kernel(%arg0: i32, %arg1: i32, %arg2: memref<320000xi32, #tpu.memory_space<hbm>>, %arg3: memref<20480x16xf32, #tpu.memory_space<hbm>>, %arg4: memref<10240x16xf32, #tpu.memory_space<vmem_shared>>, %arg5: memref<128x16xf32, #tpu.memory_space<vmem>>, %arg6: memref<128x16xf32, #tpu.memory_space<vmem>>, %arg7: memref<128xi32, #tpu.memory_space<vmem>>) attributes {dimension_semantics = [#tpu.dimension_semantics<core_parallel>, #tpu.dimension_semantics<subcore_parallel>], iteration_bounds = array<i64: 2, 16>, scalar_prefetch = 0 : i64, scratch_operands = 4 : i64, tpu.core_type = #tpu.core_type<sc_vector_subcore>, window_params = [{transform_indices = #map}, {transform_indices = #map1}]} {
    %mul3A = arith.constant 2 : i32
    %mul3A_0 = arith.muli %arg1, %mul3A : i32
    %add3A = arith.addi %mul3A_0, %arg0 : i32
    %scan3A = arith.constant 0 : i32
    %scan3A_1 = arith.constant 128 : i32
    %scan3A_2 = arith.addi %scan3A, %scan3A_1 : i32
    %scan3A_3 = arith.constant 1 : i32
    scf.for %scan3A_23 = %scan3A to %scan3A_2 step %scan3A_3  : i32 {
      %mul3A_24 = arith.constant 1 : i32
      %mul3A_25 = arith.muli %scan3A_23, %mul3A_24 : i32
      %add3A_26 = arith.constant 0 : i32
      %add3A_27 = arith.addi %add3A_26, %mul3A_25 : i32
      %broadcast_in_dim3A = arith.constant 0.000000e+00 : f32
      %broadcast_in_dim3A_28 = vector.broadcast %broadcast_in_dim3A : f32 to vector<16xf32>
      %swap3A = arith.index_cast %add3A_27 : i32 to index
      %swap3A_29 = arith.constant 0 : index
      %swap3A_30 = tpu.vector_load %arg5[%swap3A, %swap3A_29] {strides = array<i32>} : memref<128x16xf32, #tpu.memory_space<vmem>>, vector<1x16xf32>,
      %swap3A_31 = vector.shape_cast %swap3A_30 : vector<1x16xf32> to vector<16xf32>
      %swap3A_32 = vector.shape_cast %broadcast_in_dim3A_28 : vector<16xf32> to vector<1x16xf32>
      tpu.vector_store %arg5[%swap3A, %swap3A_29], %swap3A_32 {strides = array<i32>} : memref<128x16xf32, #tpu.memory_space<vmem>>, vector<1x16xf32>,
      %broadcast_in_dim3A_33 = arith.constant 1.000000e+00 : f32
      %broadcast_in_dim3A_34 = vector.broadcast %broadcast_in_dim3A_33 : f32 to vector<16xf32>
      %swap3A_35 = arith.index_cast %add3A_27 : i32 to index
      %swap3A_36 = arith.constant 0 : index
      %swap3A_37 = tpu.vector_load %arg6[%swap3A_35, %swap3A_36] {strides = array<i32>} : memref<128x16xf32, #tpu.memory_space<vmem>>, vector<1x16xf32>,
      %swap3A_38 = vector.shape_cast %swap3A_37 : vector<1x16xf32> to vector<16xf32>
      %swap3A_39 = vector.shape_cast %broadcast_in_dim3A_34 : vector<16xf32> to vector<1x16xf32>
      tpu.vector_store %arg6[%swap3A_35, %swap3A_36], %swap3A_39 {strides = array<i32>} : memref<128x16xf32, #tpu.memory_space<vmem>>, vector<1x16xf32>,
    }
    %scan3A_4 = arith.constant 128 : i32
    %scan3A_5 = arith.constant 0 : i32
    %scan3A_6 = arith.constant 5 : i32
    %scan3A_7 = arith.addi %scan3A_5, %scan3A_6 : i32
    %scan3A_8 = arith.constant 1 : i32
    scf.for %scan3A_23 = %scan3A_5 to %scan3A_7 step %scan3A_8  : i32 {
      %mul3A_24 = arith.constant 1 : i32
      %mul3A_25 = arith.muli %scan3A_23, %mul3A_24 : i32
      %add3A_26 = arith.constant 0 : i32
      %add3A_27 = arith.addi %add3A_26, %mul3A_25 : i32
      %mul3A_28 = arith.constant 640 : i32
      %mul3A_29 = arith.muli %arg1, %mul3A_28 : i32
      %mul3A_30 = arith.constant 128 : i32
      %mul3A_31 = arith.muli %add3A_27, %mul3A_30 : i32
      %add3A_32 = arith.addi %mul3A_29, %mul3A_31 : i32
      "tpu.region"() ({
        %run_scoped3A = tpu.sem_alloc : memref<!tpu.dma_semaphore, #tpu.memory_space<semaphore_mem>>
        %dma_start3A = arith.constant 0 : i32
        %dma_start3A_33 = tpu.memref_slice %arg4[%add3A_32, %dma_start3A] : memref<10240x16xf32, #tpu.memory_space<vmem_shared>> -> memref<128x16xf32, #tpu.memory_space<vmem_shared>>
        %dma_start3A_34 = arith.constant 0 : i32
        %dma_start3A_35 = tpu.memref_slice %arg4[%add3A_32, %dma_start3A_34] : memref<10240x16xf32, #tpu.memory_space<vmem_shared>> -> memref<128x16xf32, #tpu.memory_space<vmem_shared>>
        tpu.enqueue_dma source(%arg5 : memref<128x16xf32, #tpu.memory_space<vmem>>) target(%dma_start3A_35 : memref<128x16xf32, #tpu.memory_space<vmem_shared>>) target_semaphore(%run_scoped3A : memref<!tpu.dma_semaphore, #tpu.memory_space<semaphore_mem>>)
        %dma_wait3A = arith.constant 0 : i32
        %dma_wait3A_36 = tpu.memref_slice %arg4[%add3A_32, %dma_wait3A] : memref<10240x16xf32, #tpu.memory_space<vmem_shared>> -> memref<128x16xf32, #tpu.memory_space<vmem_shared>>
        %dma_wait3A_37 = arith.constant 0 : i32
        %dma_wait3A_38 = tpu.memref_slice %arg4[%add3A_32, %dma_wait3A_37] : memref<10240x16xf32, #tpu.memory_space<vmem_shared>> -> memref<128x16xf32, #tpu.memory_space<vmem_shared>>
        tpu.wait_dma2 semaphore(%run_scoped3A : memref<!tpu.dma_semaphore, #tpu.memory_space<semaphore_mem>>) src(%arg5 : memref<128x16xf32, #tpu.memory_space<vmem>>) dst(%dma_wait3A_38 : memref<128x16xf32, #tpu.memory_space<vmem_shared>>)
        tpu.yield
      }) : () -> ()
    }
    %scan3A_9 = arith.constant 5 : i32
    %barrier3A = arith.constant 0 : index
    tpu.barrier barrier_id(%barrier3A)
    %scan3A_10 = arith.constant 0 : i32
    %scan3A_11 = arith.constant 79 : i32
    %scan3A_12 = arith.addi %scan3A_10, %scan3A_11 : i32
    %scan3A_13 = arith.constant 1 : i32
    scf.for %scan3A_23 = %scan3A_10 to %scan3A_12 step %scan3A_13  : i32 {
      %mul3A_24 = arith.constant 1 : i32
      %mul3A_25 = arith.muli %scan3A_23, %mul3A_24 : i32
      %add3A_26 = arith.constant 0 : i32
      %add3A_27 = arith.addi %add3A_26, %mul3A_25 : i32
      %mul3A_28 = arith.constant 32 : i32
      %mul3A_29 = arith.muli %add3A_27, %mul3A_28 : i32
      %add3A_30 = arith.addi %add3A, %mul3A_29 : i32
      %lt3A = arith.constant 2500 : i32
      %lt3A_31 = arith.cmpi slt, %add3A_30, %lt3A : i32
      %convert_element_type3A = arith.extui %lt3A_31 : i1 to i32
      %cond3A = arith.constant 0 : i32
      %cond3A_32 = arith.cmpi ne, %convert_element_type3A, %cond3A : i32
      scf.if %cond3A_32 {
        %mul3A_33 = arith.constant 128 : i32
        %mul3A_34 = arith.muli %add3A_30, %mul3A_33 : i32
        "tpu.region"() ({
          %run_scoped3A = tpu.sem_alloc : memref<!tpu.dma_semaphore, #tpu.memory_space<semaphore_mem>>
          %dma_start3A = tpu.memref_slice %arg2[%mul3A_34] : memref<320000xi32, #tpu.memory_space<hbm>> -> memref<128xi32, #tpu.memory_space<hbm>>
          %dma_start3A_35 = tpu.memref_slice %arg2[%mul3A_34] : memref<320000xi32, #tpu.memory_space<hbm>> -> memref<128xi32, #tpu.memory_space<hbm>>
          tpu.enqueue_dma source(%dma_start3A_35 : memref<128xi32, #tpu.memory_space<hbm>>) target(%arg7 : memref<128xi32, #tpu.memory_space<vmem>>) target_semaphore(%run_scoped3A : memref<!tpu.dma_semaphore, #tpu.memory_space<semaphore_mem>>)
          %dma_wait3A = tpu.memref_slice %arg2[%mul3A_34] : memref<320000xi32, #tpu.memory_space<hbm>> -> memref<128xi32, #tpu.memory_space<hbm>>
          %dma_wait3A_36 = tpu.memref_slice %arg2[%mul3A_34] : memref<320000xi32, #tpu.memory_space<hbm>> -> memref<128xi32, #tpu.memory_space<hbm>>
          tpu.wait_dma2 semaphore(%run_scoped3A : memref<!tpu.dma_semaphore, #tpu.memory_space<semaphore_mem>>) src(%dma_wait3A_36 : memref<128xi32, #tpu.memory_space<hbm>>) dst(%arg7 : memref<128xi32, #tpu.memory_space<vmem>>)
          tpu.yield
        }) : () -> ()
        "tpu.region"() ({
          %run_scoped3A = tpu.sem_alloc : memref<!tpu.dma_semaphore, #tpu.memory_space<semaphore_mem>>
          %dma_start3A = arith.constant 0 : i32
          %dma_start3A_35 = arith.constant 0 : i32
          %dma_start3A_36 = tpu.memref_slice %arg4[%dma_start3A, %dma_start3A_35] : memref<10240x16xf32, #tpu.memory_space<vmem_shared>> -> memref<10240x16xf32, #tpu.memory_space<vmem_shared>>
          tpu.enqueue_indirect_dma source(%arg6 : memref<128x16xf32, #tpu.memory_space<vmem>>) target(%dma_start3A_36 : memref<10240x16xf32, #tpu.memory_space<vmem_shared>>) offsets(%arg7 : memref<128xi32, #tpu.memory_space<vmem>>) semaphore(%run_scoped3A : memref<!tpu.dma_semaphore, #tpu.memory_space<semaphore_mem>>) {add = true}
          %dma_wait3A = arith.constant 0 : i32
          %dma_wait3A_37 = arith.constant 0 : i32
          %dma_wait3A_38 = tpu.memref_slice %arg4[%dma_wait3A, %dma_wait3A_37] : memref<10240x16xf32, #tpu.memory_space<vmem_shared>> -> memref<10240x16xf32, #tpu.memory_space<vmem_shared>>
          tpu.wait_indirect_dma semaphore(%run_scoped3A : memref<!tpu.dma_semaphore, #tpu.memory_space<semaphore_mem>>) src(%arg6 : memref<128x16xf32, #tpu.memory_space<vmem>>) dst(%dma_wait3A_38 : memref<10240x16xf32, #tpu.memory_space<vmem_shared>>)
          tpu.yield
        }) : () -> ()
      } else {
      }
    }
    %scan3A_14 = arith.constant 79 : i32
    %barrier3A_15 = arith.constant 0 : index
    tpu.barrier barrier_id(%barrier3A_15)
    %mul3A_16 = arith.constant 640 : i32
    %mul3A_17 = arith.muli %arg1, %mul3A_16 : i32
    %mul3A_18 = arith.constant 10240 : i32
    %mul3A_19 = arith.muli %arg0, %mul3A_18 : i32
    %mul3A_20 = arith.constant 640 : i32
    %mul3A_21 = arith.muli %arg1, %mul3A_20 : i32
    %add3A_22 = arith.addi %mul3A_19, %mul3A_21 : i32
    "tpu.region"() ({
      %run_scoped3A = tpu.sem_alloc : memref<!tpu.dma_semaphore, #tpu.memory_space<semaphore_mem>>
      %dma_start3A = arith.constant 0 : i32
      %dma_start3A_23 = tpu.memref_slice %arg3[%add3A_22, %dma_start3A] : memref<20480x16xf32, #tpu.memory_space<hbm>> -> memref<640x16xf32, #tpu.memory_space<hbm>>
      %dma_start3A_24 = arith.constant 0 : i32
      %dma_start3A_25 = tpu.memref_slice %arg4[%mul3A_17, %dma_start3A_24] : memref<10240x16xf32, #tpu.memory_space<vmem_shared>> -> memref<640x16xf32, #tpu.memory_space<vmem_shared>>
      tpu.enqueue_dma source(%dma_start3A_25 : memref<640x16xf32, #tpu.memory_space<vmem_shared>>) target(%dma_start3A_23 : memref<640x16xf32, #tpu.memory_space<hbm>>) target_semaphore(%run_scoped3A : memref<!tpu.dma_semaphore, #tpu.memory_space<semaphore_mem>>)
      %dma_wait3A = arith.constant 0 : i32
      %dma_wait3A_26 = tpu.memref_slice %arg3[%add3A_22, %dma_wait3A] : memref<20480x16xf32, #tpu.memory_space<hbm>> -> memref<640x16xf32, #tpu.memory_space<hbm>>
      %dma_wait3A_27 = arith.constant 0 : i32
      %dma_wait3A_28 = tpu.memref_slice %arg4[%mul3A_17, %dma_wait3A_27] : memref<10240x16xf32, #tpu.memory_space<vmem_shared>> -> memref<640x16xf32, #tpu.memory_space<vmem_shared>>
      tpu.wait_dma2 semaphore(%run_scoped3A : memref<!tpu.dma_semaphore, #tpu.memory_space<semaphore_mem>>) src(%dma_wait3A_28 : memref<640x16xf32, #tpu.memory_space<vmem_shared>>) dst(%dma_wait3A_26 : memref<640x16xf32, #tpu.memory_space<hbm>>)
      tpu.yield
    }) : () -> ()
    return
  }
}

module attributes {stable_mosaic.version = 14 : i64} {
  func.func @body(%arg0: i32, %arg1: memref<512x128xf32, #tpu.memory_space<vmem>>, %arg2: memref<128x128xf32, #tpu.memory_space<vmem>>, %arg3: memref<512x16xf32, #tpu.memory_space<vmem>>, %arg4: memref<512x16xf32, #tpu.memory_space<vmem>>, %arg5: memref<512x128xf32, #tpu.memory_space<vmem>>) attributes {dimension_semantics = [#tpu.dimension_semantics<arbitrary>], iteration_bounds = array<i64: 20>, scalar_prefetch = 0 : i64, scratch_operands = 0 : i64, tpu.core_type = #tpu.core_type<tc>, window_params = [{transform_indices = @transform_0, window_bounds = array<i64: 512, 128>}, {pipeline_mode = #tpu.pipeline_mode<synchronous>, transform_indices = @transform_1, window_bounds = array<i64: 128, 128>}, {transform_indices = @transform_2, window_bounds = array<i64: 512, 16>}, {transform_indices = @transform_3, window_bounds = array<i64: 512, 16>}, {transform_indices = @transform_4, window_bounds = array<i64: 512, 128>}]} {
    %get3A = arith.constant 0 : index
    %get3A_0 = arith.constant 0 : index
    %get3A_1 = vector.load %arg3[%get3A, %get3A_0] : memref<512x16xf32, #tpu.memory_space<vmem>>, vector<512x1xf32>
    %get3A_2 = arith.constant 0 : index
    %get3A_3 = arith.constant 0 : index
    %get3A_4 = vector.load %arg4[%get3A_2, %get3A_3] : memref<512x16xf32, #tpu.memory_space<vmem>>, vector<512x1xf32>
    %add3A = arith.addf %get3A_1, %get3A_4 : vector<512x1xf32>
    %add3A_5 = arith.constant 1.000000e+00 : f32
    %add3A_6 = vector.broadcast %add3A_5 : f32 to vector<512x1xf32>
    %add3A_7 = arith.addf %add3A, %add3A_6 : vector<512x1xf32>
    %rsqrt3A = math.rsqrt %add3A_7 : vector<512x1xf32>
    %get3A_8 = arith.constant 0 : index
    %get3A_9 = arith.constant 0 : index
    %get3A_10 = vector.load %arg1[%get3A_8, %get3A_9] : memref<512x128xf32, #tpu.memory_space<vmem>>, vector<512x128xf32>
    %get3A_11 = arith.constant 0 : index
    %get3A_12 = arith.constant 0 : index
    %get3A_13 = vector.load %arg2[%get3A_11, %get3A_12] : memref<128x128xf32, #tpu.memory_space<vmem>>, vector<128x128xf32>
    %dot_general3A = arith.constant dense<0.000000e+00> : vector<512x128xf32>
    %dot_general3A_14 = tpu.matmul %get3A_10, %get3A_13, %dot_general3A {dimension_numbers = #tpu.dot_dimension_numbers<[1], [0], [0], [1], [0, 0, 1, 1], [], []>, transpose_lhs_hint = false} : vector<512x128xf32>, vector<128x128xf32>, vector<512x128xf32> -> vector<512x128xf32>
    %mul3A = vector.broadcast %rsqrt3A : vector<512x1xf32> to vector<512x128xf32>
    %mul3A_15 = arith.mulf %dot_general3A_14, %mul3A : vector<512x128xf32>
    %swap3A = arith.constant 0 : index
    %swap3A_16 = arith.constant 0 : index
    %swap3A_17 = vector.load %arg5[%swap3A, %swap3A_16] : memref<512x128xf32, #tpu.memory_space<vmem>>, vector<512x128xf32>
    tpu.vector_store %arg5[%swap3A, %swap3A_16], %mul3A_15 {strides = array<i32>} : memref<512x128xf32, #tpu.memory_space<vmem>>, vector<512x128xf32>,
    return
  }
  func.func @transform_0(%arg0: i32) -> (i32, i32) {
    %c0_i32 = arith.constant 0 : i32
    %c0_i32_0 = arith.constant 0 : i32
    return %arg0, %c0_i32 : i32, i32
  }
  func.func @transform_1(%arg0: i32) -> (i32, i32) {
    %c0_i32 = arith.constant 0 : i32
    %c0_i32_0 = arith.constant 0 : i32
    %c0_i32_1 = arith.constant 0 : i32
    return %c0_i32, %c0_i32_0 : i32, i32
  }
  func.func @transform_2(%arg0: i32) -> (i32, i32) {
    %c0_i32 = arith.constant 0 : i32
    %c0_i32_0 = arith.constant 0 : i32
    return %arg0, %c0_i32 : i32, i32
  }
  func.func @transform_3(%arg0: i32) -> (i32, i32) {
    %add3A = arith.constant 20 : i32
    %add3A_0 = arith.addi %arg0, %add3A : i32
    %c0_i32 = arith.constant 0 : i32
    %c0_i32_1 = arith.constant 0 : i32
    return %add3A_0, %c0_i32 : i32, i32
  }
  func.func @transform_4(%arg0: i32) -> (i32, i32) {
    %c0_i32 = arith.constant 0 : i32
    %c0_i32_0 = arith.constant 0 : i32
    return %arg0, %c0_i32 : i32, i32
  }
}

module attributes {stable_mosaic.version = 14 : i64} {
  func.func @body(%arg0: i32, %arg1: memref<512x128xf32, #tpu.memory_space<vmem>>, %arg2: memref<512x128xf32, #tpu.memory_space<vmem>>, %arg3: memref<512x128xf32, #tpu.memory_space<vmem>>, %arg4: memref<512x16xf32, #tpu.memory_space<vmem>>, %arg5: memref<512x16xf32, #tpu.memory_space<vmem>>, %arg6: memref<8x64xf32, #tpu.memory_space<vmem>>, %arg7: memref<8x64xf32, #tpu.memory_space<vmem>>, %arg8: memref<512x64xf32, #tpu.memory_space<vmem>>, %arg9: memref<512x64xf32, #tpu.memory_space<vmem>>) attributes {dimension_semantics = [#tpu.dimension_semantics<arbitrary>], iteration_bounds = array<i64: 20>, scalar_prefetch = 0 : i64, scratch_operands = 0 : i64, tpu.core_type = #tpu.core_type<tc>, window_params = [{transform_indices = @transform_0, window_bounds = array<i64: 512, 128>}, {transform_indices = @transform_1, window_bounds = array<i64: 512, 128>}, {transform_indices = @transform_2, window_bounds = array<i64: 512, 128>}, {transform_indices = @transform_3, window_bounds = array<i64: 512, 16>}, {transform_indices = @transform_4, window_bounds = array<i64: 512, 16>}, {pipeline_mode = #tpu.pipeline_mode<synchronous>, transform_indices = @transform_5, window_bounds = array<i64: 8, 64>}, {pipeline_mode = #tpu.pipeline_mode<synchronous>, transform_indices = @transform_6, window_bounds = array<i64: 8, 64>}, {transform_indices = @transform_7, window_bounds = array<i64: 512, 64>}, {transform_indices = @transform_8, window_bounds = array<i64: 512, 64>}]} {
    %get3A = arith.constant 0 : index
    %get3A_0 = arith.constant 0 : index
    %get3A_1 = vector.load %arg4[%get3A, %get3A_0] : memref<512x16xf32, #tpu.memory_space<vmem>>, vector<512x1xf32>
    %get3A_2 = arith.constant 0 : index
    %get3A_3 = arith.constant 0 : index
    %get3A_4 = vector.load %arg5[%get3A_2, %get3A_3] : memref<512x16xf32, #tpu.memory_space<vmem>>, vector<512x1xf32>
    %add3A = arith.addf %get3A_1, %get3A_4 : vector<512x1xf32>
    %add3A_5 = arith.constant 1.000000e+00 : f32
    %add3A_6 = vector.broadcast %add3A_5 : f32 to vector<512x1xf32>
    %add3A_7 = arith.addf %add3A, %add3A_6 : vector<512x1xf32>
    %rsqrt3A = math.rsqrt %add3A_7 : vector<512x1xf32>
    %get3A_8 = arith.constant 0 : index
    %get3A_9 = arith.constant 0 : index
    %get3A_10 = vector.load %arg1[%get3A_8, %get3A_9] : memref<512x128xf32, #tpu.memory_space<vmem>>, vector<512x128xf32>
    %get3A_11 = arith.constant 0 : index
    %get3A_12 = arith.constant 0 : index
    %get3A_13 = vector.load %arg2[%get3A_11, %get3A_12] : memref<512x128xf32, #tpu.memory_space<vmem>>, vector<512x128xf32>
    %add3A_14 = arith.addf %get3A_10, %get3A_13 : vector<512x128xf32>
    %get3A_15 = arith.constant 0 : index
    %get3A_16 = arith.constant 0 : index
    %get3A_17 = vector.load %arg3[%get3A_15, %get3A_16] : memref<512x128xf32, #tpu.memory_space<vmem>>, vector<512x128xf32>
    %add3A_18 = arith.addf %add3A_14, %get3A_17 : vector<512x128xf32>
    %mul3A = vector.broadcast %rsqrt3A : vector<512x1xf32> to vector<512x128xf32>
    %mul3A_19 = arith.mulf %mul3A, %add3A_18 : vector<512x128xf32>
    %slice3A = vector.extract_strided_slice %mul3A_19 {offsets = [0, 0], sizes = [512, 64], strides = [1, 1]} : vector<512x128xf32> to vector<512x64xf32>
    %get3A_20 = arith.constant 0 : index
    %get3A_21 = arith.constant 0 : index
    %get3A_22 = vector.load %arg6[%get3A_20, %get3A_21] : memref<8x64xf32, #tpu.memory_space<vmem>>, vector<1x64xf32>
    %add3A_23 = vector.broadcast %get3A_22 : vector<1x64xf32> to vector<512x64xf32>
    %add3A_24 = arith.addf %slice3A, %add3A_23 : vector<512x64xf32>
    %swap3A = arith.constant 0 : index
    %swap3A_25 = arith.constant 0 : index
    %swap3A_26 = vector.load %arg8[%swap3A, %swap3A_25] : memref<512x64xf32, #tpu.memory_space<vmem>>, vector<512x64xf32>
    tpu.vector_store %arg8[%swap3A, %swap3A_25], %add3A_24 {strides = array<i32>} : memref<512x64xf32, #tpu.memory_space<vmem>>, vector<512x64xf32>,
    %slice3A_27 = vector.extract_strided_slice %mul3A_19 {offsets = [0, 64], sizes = [512, 64], strides = [1, 1]} : vector<512x128xf32> to vector<512x64xf32>
    %get3A_28 = arith.constant 0 : index
    %get3A_29 = arith.constant 0 : index
    %get3A_30 = vector.load %arg7[%get3A_28, %get3A_29] : memref<8x64xf32, #tpu.memory_space<vmem>>, vector<1x64xf32>
    %add3A_31 = vector.broadcast %get3A_30 : vector<1x64xf32> to vector<512x64xf32>
    %add3A_32 = arith.addf %slice3A_27, %add3A_31 : vector<512x64xf32>
    %swap3A_33 = arith.constant 0 : index
    %swap3A_34 = arith.constant 0 : index
    %swap3A_35 = vector.load %arg9[%swap3A_33, %swap3A_34] : memref<512x64xf32, #tpu.memory_space<vmem>>, vector<512x64xf32>
    tpu.vector_store %arg9[%swap3A_33, %swap3A_34], %add3A_32 {strides = array<i32>} : memref<512x64xf32, #tpu.memory_space<vmem>>, vector<512x64xf32>,
    return
  }
  func.func @transform_0(%arg0: i32) -> (i32, i32) {
    %c0_i32 = arith.constant 0 : i32
    %c0_i32_0 = arith.constant 0 : i32
    return %arg0, %c0_i32 : i32, i32
  }
  func.func @transform_1(%arg0: i32) -> (i32, i32) {
    %add3A = arith.constant 20 : i32
    %add3A_0 = arith.addi %arg0, %add3A : i32
    %c0_i32 = arith.constant 0 : i32
    %c0_i32_1 = arith.constant 0 : i32
    return %add3A_0, %c0_i32 : i32, i32
  }
  func.func @transform_2(%arg0: i32) -> (i32, i32) {
    %c0_i32 = arith.constant 0 : i32
    %c0_i32_0 = arith.constant 0 : i32
    return %arg0, %c0_i32 : i32, i32
  }
  func.func @transform_3(%arg0: i32) -> (i32, i32) {
    %c0_i32 = arith.constant 0 : i32
    %c0_i32_0 = arith.constant 0 : i32
    return %arg0, %c0_i32 : i32, i32
  }
  func.func @transform_4(%arg0: i32) -> (i32, i32) {
    %add3A = arith.constant 20 : i32
    %add3A_0 = arith.addi %arg0, %add3A : i32
    %c0_i32 = arith.constant 0 : i32
    %c0_i32_1 = arith.constant 0 : i32
    return %add3A_0, %c0_i32 : i32, i32
  }
  func.func @transform_5(%arg0: i32) -> (i32, i32) {
    %c0_i32 = arith.constant 0 : i32
    %c0_i32_0 = arith.constant 0 : i32
    %c0_i32_1 = arith.constant 0 : i32
    return %c0_i32, %c0_i32_0 : i32, i32
  }
  func.func @transform_6(%arg0: i32) -> (i32, i32) {
    %c0_i32 = arith.constant 0 : i32
    %c0_i32_0 = arith.constant 0 : i32
    %c0_i32_1 = arith.constant 0 : i32
    return %c0_i32, %c0_i32_0 : i32, i32
  }
  func.func @transform_7(%arg0: i32) -> (i32, i32) {
    %c0_i32 = arith.constant 0 : i32
    %c0_i32_0 = arith.constant 0 : i32
    return %arg0, %c0_i32 : i32, i32
  }
  func.func @transform_8(%arg0: i32) -> (i32, i32) {
    %c0_i32 = arith.constant 0 : i32
    %c0_i32_0 = arith.constant 0 : i32
    return %arg0, %c0_i32 : i32, i32
  }
}

</mosaic_0001>

<sc_bundles>
// kernel: kernel.6.cloned.1.call-start
scs
__scs_entry_jumppad:
0x0: {  	(pc) =	sbr.rel $0x88, $3  }
0x1: {  	(tag) =	ssettag $0x0;
	lr =	simm.s32 $0x1  }
0x2: {  	[smem:$0x3F9B] =	sst lr;
	_ =	strace $0xD0000000  }
0x3: {  	_ = 	snop  }
0x4: {  	_ = 	snop  }
0x5: {  	_ = 	snop  }
0x6: {  	_ = 	snop  }
0x7: {  	_ = 	snop  }
__scs_overlays_trampoline_lowered:
0x8: {  	[smem:$0x3FAA] =	sst s0  }
0x9: {  	[smem:$0x3FAB] =	sst s1  }
0xa: {  	[smem:$0x3FAC] =	sst s2  }
0xb: {  	[smem:$0x3FAD] =	sst s3  }
0xc: {  	[smem:$0x3FAE] =	sst s4  }
0xd: {  	[smem:$0x3FAF] =	sst s5  }
0xe: {  	[smem:$0x3FB0] =	sst s6  }
0xf: {  	[smem:$0x3FB1] =	sst s7  }
0x10: {  	[smem:$0x3FB2] =	sst s8  }
0x11: {  	[smem:$0x3FB3] =	sst s9;
	s0 =	simm.s32 @!p0 $0x0  }
0x12: {  	s1 =	sld [smem:$0x3F99];
	s0 =	simm.s32 @p0 $0x1  }
0x13: {  	[smem:$0x3FB4] =	sst s0;
	s0 =	simm.s32 @!p1 $0x0  }
0x14: {  	s2 =	sld [smem:$0x3F98];
	s0 =	simm.s32 @p1 $0x1  }
0x15: {  	[smem:$0x3FB5] =	sst s0;
	s0 =	simm.s32 @!p2 $0x0  }
0x16: {  	s3 =	sld [smem:$0x3FDB];
	s0 =	simm.s32 @p2 $0x1  }
0x17: {  	s4 =	simm.s32 $0x1BF5;
	[smem:$0x3FB7] =	sst s0  }
0x18: {  	s0 =	sld [smem:$0x3F9A];
	_ =	swait.ge [sflag:s4], $0x0  }
0x19: {  	s7 =	sld [smem:$0x3F9B]  }
0x1a: {  	s8 =	sadd.s32 $0xFFFFE003, lr  }
0x1b: {  	s9 =	sadd.s32 $0xFFFFFEF7, lr;
	s5 =	simm.s32 $0xFFFFFFFF;
	p2 =	slt.u32 s8, $0xFFFFF086  }
0x1c: {  	p1 =	slt.u32 s9, $0xF7A;
	s5 =	simm.s32 @!p2 $0x0  }
0x1d: {  	s5 =	simm.s32 @p1 $0x1;
	p0 =	seq.s32 s7, s2  }
0x1e: {  	s7 =	smul.u32 @!p0 $0xF7A, s2;
	p2 =	seq.s32 @!p0 s5, $0x0  }
0x1f: {  	s9 =	smul.u32 $0xF7A, s1;
	s8 =	simm.s32 @!p0 $0x1BF5;
	p2 =	por !p2, p0  }
0x20: {  	[sflag:s8] =	ssyncset.s32 @!p0 $0xFFFFF086;
	s6 =	sadd.s32 @!p0 s3, s7;
	s7 =	simm.s32 @!p0 $0x108  }
0x21: {  	s3 =	sadd.s32 s3, s9;
	s6 =	sadd.s32 @!p0 $0x88, s6;
	s7 =	simm.s32 @p2 $0x1082  }
0x22: {  	[simem:s7], [sflag:s8] =	dma.local @!p0 [hbm:s6], $0xF7A  }
0x23: {  	s9 =	sor.u32 $0xD0000000, s2;
	s6 =	simm.s32 $0x108;
	_ =	swait.ge @!p0 [sflag:s8], $0x0  }
0x24: {  	s3 =	sadd.s32 $0x88, s3;
	s6 =	simm.s32 @!p1 $0x1082;
	[sflag:s4] =	ssyncset.s32 $0xFFFFF086  }
0x25: {  	[simem:s6], [sflag:s4] =	dma.local [hbm:s3], $0xF7A  }
0x26: {  	[smem:$0x3F9B] =	sst s1;
	(tag) =	ssettag s2;
	_ =	strace s9  }
0x27: {  	s1 =	sld [smem:$0x3FAB]  }
0x28: {  	s2 =	sld [smem:$0x3FAC]  }
0x29: {  	s4 =	sld [smem:$0x3FAE]  }
0x2a: {  	p0 =	seq.s32 s5, $0x0;
	s5 =	sld [smem:$0x3FAF]  }
0x2b: {  	s6 =	sld [smem:$0x3FB0]  }
0x2c: {  	s7 =	sld [smem:$0x3FB1]  }
0x2d: {  	s3 =	simm.s32 $0x108;
	s8 =	sld [smem:$0x3FB2]  }
0x2e: {  	s3 =	simm.s32 @!p0 $0x1082;
	s9 =	sld [smem:$0x3FB3]  }
0x2f: {  	lr =	sadd.s32 s0, s3;
	s0 =	sld [smem:$0x3FAA]  }
0x30: {  	s3 =	sld [smem:$0x3FAD]  }
0x31: {  	[smem:$0x3FB6] =	sst s10  }
0x32: {  	s10 =	sld [smem:$0x3FB4];
	_ =	sdelay $0x3  }
0x33: {  	p0 =	seq.s32 s10, $0x1;
	s10 =	sld [smem:$0x3FB6];
	_ =	sdelay $0x3  }
0x34: {  	[smem:$0x3FB6] =	sst s10  }
0x35: {  	s10 =	sld [smem:$0x3FB5];
	_ =	sdelay $0x3  }
0x36: {  	p1 =	seq.s32 s10, $0x1;
	s10 =	sld [smem:$0x3FB6];
	_ =	sdelay $0x3  }
0x37: {  	[smem:$0x3FB6] =	sst s10  }
0x38: {  	s10 =	sld [smem:$0x3FB7]  }
0x39: {  	_ = 	snop;
	(pc) =	sbr.ind lr, $3  }
0x3a: {  	_ = 	snop  }
0x3b: {  	_ = 	snop  }
0x3c: {  	p2 =	seq.s32 s10, $0x1;
	s10 =	sld [smem:$0x3FB6]  }
0x3d: {  	_ =	shalt  }
0x3e: {  	_ =	shalt  }
0x3f: {  	_ =	shalt  }
0x40: {  	_ =	shalt  }
0x41: {  	_ =	shalt  }
0x42: {  	_ =	shalt  }
0x43: {  	_ =	shalt  }
0x44: {  	_ =	shalt  }
0x45: {  	_ =	shalt  }
0x46: {  	_ =	shalt  }
0x47: {  	_ =	shalt  }
0x48: {  	_ =	shalt  }
0x49: {  	_ =	shalt  }
0x4a: {  	_ =	shalt  }
0x4b: {  	_ =	shalt  }
0x4c: {  	_ =	shalt  }
0x4d: {  	_ =	shalt  }
0x4e: {  	_ =	shalt  }
0x4f: {  	_ =	shalt  }
0x50: {  	_ =	shalt  }
0x51: {  	_ =	shalt  }
0x52: {  	_ =	shalt  }
0x53: {  	_ =	shalt  }
0x54: {  	_ =	shalt  }
0x55: {  	_ =	shalt  }
0x56: {  	_ =	shalt  }
0x57: {  	_ =	shalt  }
0x58: {  	_ =	shalt  }
0x59: {  	_ =	shalt  }
0x5a: {  	_ =	shalt  }
0x5b: {  	_ =	shalt  }
0x5c: {  	_ =	shalt  }
0x5d: {  	_ =	shalt  }
0x5e: {  	_ =	shalt  }
0x5f: {  	_ =	shalt  }
0x60: {  	_ =	shalt  }
0x61: {  	_ =	shalt  }
0x62: {  	_ =	shalt  }
0x63: {  	_ =	shalt  }
0x64: {  	_ =	shalt  }
0x65: {  	_ =	shalt  }
0x66: {  	_ =	shalt  }
0x67: {  	_ =	shalt  }
0x68: {  	_ =	shalt  }
0x69: {  	_ =	shalt  }
0x6a: {  	_ =	shalt  }
0x6b: {  	_ =	shalt  }
0x6c: {  	_ =	shalt  }
0x6d: {  	_ =	shalt  }
0x6e: {  	_ =	shalt  }
0x6f: {  	_ =	shalt  }
0x70: {  	_ =	shalt  }
0x71: {  	_ =	shalt  }
0x72: {  	_ =	shalt  }
0x73: {  	_ =	shalt  }
0x74: {  	_ =	shalt  }
0x75: {  	_ =	shalt  }
0x76: {  	_ =	shalt  }
0x77: {  	_ =	shalt  }
0x78: {  	_ =	shalt  }
0x79: {  	_ =	shalt  }
0x7a: {  	_ =	shalt  }
0x7b: {  	_ =	shalt  }
0x7c: {  	_ =	shalt  }
0x7d: {  	_ =	shalt  }
0x7e: {  	_ =	shalt  }
0x7f: {  	_ =	shalt  }
0x80: {  	_ =	shalt  }
0x81: {  	_ =	shalt  }
0x82: {  	_ =	shalt  }
0x83: {  	_ =	shalt  }
0x84: {  	_ =	shalt  }
0x85: {  	_ =	shalt  }
0x86: {  	_ =	shalt  }
0x87: {  	_ =	shalt  }
.Lfunc_end0:
.L_simem_size_0:
called_computation_lowered:
.L_overlay_start_0:
0x88: {  	s2 =	sld [smem:$0x3FD9]  }
0x89: {  	s3 =	sld [smem:$0x3FFE];
	_ =	sdelay $0x1  }
0x8a: {  	s1 =	srdreg.scid  }
0x8b: {  	s0 =	sand.u32 $0x1, s1  }
0x8c: {  	s14 =	sshll.u32 s0, $0xA;
	s2 =	sadd.s32 s3, s2  }
0x8d: {  	s2 =	sadd.s32 s2, s14  }
0x8e: {  	[smem:$0x3FC2] =	sst s2  }
0x8f: {  	_ = 	snop  }
0x90: {  	s2 =	sld [smem:$0x3FD0];
	_ =	sdelay $0x2  }
0x91: {  	s15 =	simm.s32 $0xA;
	s4 =	simm.s32 $0x10  }
0x92: {  	[smem:s4], [sflag:s15] =	dma.local [hbm:s2], $0x1  }
0x93: {  	_ =	swait.eq [sflag:s15], $0x1  }
0x94: {  	[sflag:s15] =	ssyncset.done $0x0  }
0x95: {  	[sflag:s15] =	ssyncadd.s32 $0xFFFFFFFF  }
0x96: {  	s16 =	sld [smem:$0x11];
	(tm) =	ssettm $0x1  }
0x97: {  	s17 =	sld [smem:$0x3FFB];
	_ =	sdelay $0x3  }
0x98: {  	_ =	strace s17  }
0x99: {  	s3 =	sld [smem:$0x3FFC];
	_ =	sdelay $0x3  }
0x9a: {  	_ =	strace s3  }
0x9b: {  	s3 =	sld [smem:$0x3FFD];
	_ =	sdelay $0x3  }
0x9c: {  	_ =	strace s3  }
0x9d: {  	_ =	strace $0x8FFFFFFF  }
0x9e: {  	s18 =	sld [smem:$0x3FDB];
	_ =	sdelay $0x1  }
0x9f: {  	s19 =	simm.s32 $_scs_section_size  }
0xa0: {  	s5 =	simm.s32 $_size__tile_overlayer_lowered;
	s6 =	simm.s32 $_tile_overlayer_lowered  }
0xa1: {  	s22 =	simm.s32 $0x1BFF;
	s21 =	sshll.u32 s6, $0x1;
	s3 =	sadd.s32 s19, s18  }
0xa2: {  	s7 =	simm.s32 $0x0;
	s20 =	sshll.u32 s5, $0x1;
	s5 =	sadd.s32 s21, s3  }
0xa3: {  	[timem:s7], [sflag:s22] =	dma.local [hbm:s5], s20  }
0xa4: {  	_ =	swait.ge [sflag:s22], s20  }
0xa5: {  	s4 =	ssub.s32 $0x0, s20;
	[sflag:s22] =	ssyncset.done $0x0  }
0xa6: {  	[sflag:s22] =	ssyncadd.s32 s4;
	_ =	sdelay $0x1  }
0xa7: {  	s23 =	simm.s32 $0x1B8B  }
0xa8: {  	_ =	swait.ge [sflag:s23], $0x1  }
0xa9: {  	[sflag:s23] =	ssyncset.done $0x0  }
0xaa: {  	s25 =	simm.s32 $0x1B8E;
	s24 =	sld [smem:$0x3FFE];
	[sflag:s23] =	ssyncadd.s32 $0xFFFFFFFF  }
0xab: {  	s26 =	simm.s32 $execute0_lowered;
	[smem:$0x3FD2] =	sst s25  }
0xac: {  	s5 =	sshll.u32 s26, $0x1;
	_ =	strace $0x80000046;
	[dreg:$0x1] =	wrdreg $0xFFFFFFFF  }
0xad: {  	s28 =	simm.s32 $_size_execute0_lowered;
	s3 =	sadd.s32 s3, s5;
	[dreg:$0x0] =	wrdreg $0x0  }
0xae: {  	s5 =	sshll.u32 s28, $0x1;
	[dreg:$0x2] =	wrdreg s3  }
0xaf: {  	[dreg:$0x3] =	wrdreg s5  }
0xb0: {  	[dreg:$0x4] =	wrdreg $0xC0  }
0xb1: {  	_ =	task [dreg:s7], $0x5FFFF  }
0xb2: {  	[dreg:$0x1] =	wrdreg $0xFFFFFFFF  }
0xb3: {  	[dreg:$0x0] =	wrdreg $0x60  }
0xb4: {  	[dreg:$0x2] =	wrdreg s16  }
0xb5: {  	[dreg:$0x3] =	wrdreg s24  }
0xb6: {  	[dreg:$0x4] =	wrdreg $0x0  }
0xb7: {  	[dreg:$0x5] =	wrdreg $0x9  }
0xb8: {  	_ =	task.clear_ibuf [dreg:s7], $0x6FFFF;
	_ =	strace $0x90000046  }
0xb9: {  	s29 =	simm.s32 $0x9;
	_ =	strace $0x80000048  }
0xba: {  	_ =	swait.ge [sflag:s29], $0x1  }
0xbb: {  	[sflag:s29] =	ssyncadd.s32 $0xFFFFFFFF  }
0xbc: {  	_ =	strace $0x90000048  }
0xbd: {  	_ =	sfence  }
0xbe: {  	s30 =	sld [smem:$0x0];
	_ =	sdelay $0x2  }
0xbf: {  	s31 =	sshll.u32 s1, $0xD;
	s1 =	sshrl.u32 s1, $0x2  }
0xc0: {  	s3 =	sand.u32 $0x4000, s31;
	s1 =	sadd.s32 s1, s30  }
0xc1: {  	s0 =	sor.u32 s3, s0;
	s1 =	sshll.u32 s1, $0x11  }
0xc2: {  	s0 =	sor.u32 s1, s0  }
0xc3: {  	s0 =	sadd.s32 $0x8F2B, s0  }
0xc4: {  	[sflag:s0] =	ssyncadd.remote.s32 $0x1  }
0xc5: {  	_ =	sfence.sel $0xFFFF  }
0xc6: {  	[dreg:$0x0] =	wrdreg $0xFFFFFFFF;
	(pc) =	sbr.abs _section_cstart, $3  }
0xc7: {  	[dreg:$0x1] =	wrdreg $0xFFFFFFFF  }
0xc8: {  	_ =	task.clear_ibuf [dreg:s7], $0x2FFFF;
	_ =	strace $0x9FFFFFFF  }
0xc9: {  	(tm) =	ssettm $0x7FFFFFFF  }
tec
execute0_lowered:
.L_overlay_start_1:
0x0: {  	(tag) =	ssettag $0x1  }
0x1: {  	s12 =	rddreg [dreg:$0x0]  }
0x2: {  	s4 =	rddreg [dreg:$0x1];
	s0 =	srdreg.scid  }
0x3: {  	s2 =	rddreg [dreg:$0x2];
	s1 =	stileid.u32;
	s3 =	simm.s32 $0x0  }
0x4: {  	s13 =	sand.u32 $0x1, s0;
	s0 =	rddreg [dreg:$0x3];
	s6 =	smul.u32 $0x2800, s1  }
0x5: {  	[smem:$0x7FF] =	sst s3;
	s7 =	smul.u32 $0x50000, s1;
	s14 =	sshll.u32 s1, $0x5  }
0x6: {  	s15 =	sshll.u32 s1, $0x6;
	s5 =	smul.u32 $0x28000, s13;
	_ =	strace $0x80000047  }
0x7: {  	s28 =	ssub.s32 $0x2, s13;
	s12 =	sadd.s32 s14, s12;
	s13 =	sshll.u32 s13, $0x4  }
0x8: {  	s14 =	simm.s32 $0x1;
	s15 =	sor.u32 $0x1C01, s15;
	s29 =	sshrl.u32 s28, $0x1  }
0x9: {  	s30 =	sshrl.u32 s7, $0x2;
	s12 =	sadd.s32 s13, s12;
	s5 =	sadd.s32 s6, s5  }
0xa: {  	s13 =	simm.s32 $0x2800;
	s31 =	ssub.s32 s28, s29;
	s8 =	sadd.s32 s5, s4  }
0xb: {  	s4 =	sshll.u32 s1, $0x1;
	s5 =	sadd.s32 s30, s2;
	s7 =	smax.u32 s31, $0x1  }
0xc: {  	s6 =	sadd.s32 $0x1E00, s8;
	s8 =	sadd.s32 $0x4000, s5;
	s9 =	sadd.s32 $0x8000, s5  }
0xd: {  	v0 =	vimm.f32 $0.0e+00;
	v1 =	vimm.f32 $1.000000000e+00;
	s10 =	sadd.s32 $0xC000, s5;
	s11 =	sadd.s32 $0x10000, s5;
	s16 =	sshrl.u32 s5, $0x3  }
.LBB2_1:
0xe: {  	s17 =	simm.s32 $0x200;
	s18 =	simm.s32 $0x0  }
.LBB2_2:
0xf: {  	p0 =	sne.s32 s17, $0xFE00;
	[tilespmem:s18+$0x2800] =	vst v0;
	s19 =	smov.u32 s17;
	s17 =	sadd.s32 $0x200, s17  }
.Ltmp0:
0x10: {  	[tilespmem:s18+$0x6800] =	vst v1;
	(pc) =	sbr.rel @p0 .LBB2_2-.Ltmp0, $2  }
0x11: {  	_ =	sdelay $0x2  }
0x12: {  	s18 =	sshra.s32 s19, $0x2  }
0x13: {  	[tilespmem:s18+$0x2800] =	vst v0  }
0x14: {  	[tilespmem:s18+$0x6800] =	vst v1  }
0x15: {  	[spmem:s5] =	stream.linear.scatter [tilespmem:s13], [sflag:$0x1], $0x4000, $0x38;
	[tilespmem:$0xA880] =	vst v63  }
0x16: {  	_ =	swait.ge [sflag:s14], $0x4000  }
0x17: {  	[sflag:s14] =	ssyncset.done $0x0  }
0x18: {  	[sflag:s14] =	ssyncadd.s32 $0xFFFFC000  }
0x19: {  	[spmem:s8] =	stream.linear.scatter [tilespmem:s13], [sflag:$0x1], $0x4000, $0x38;
	[tilespmem:$0xA880] =	vst v63  }
0x1a: {  	_ =	swait.ge [sflag:s14], $0x4000  }
0x1b: {  	[sflag:s14] =	ssyncset.done $0x0  }
0x1c: {  	[sflag:s14] =	ssyncadd.s32 $0xFFFFC000  }
0x1d: {  	[spmem:s9] =	stream.linear.scatter [tilespmem:s13], [sflag:$0x1], $0x4000, $0x38;
	[tilespmem:$0xA880] =	vst v63  }
0x1e: {  	_ =	swait.ge [sflag:s14], $0x4000  }
0x1f: {  	[sflag:s14] =	ssyncset.done $0x0  }
0x20: {  	[sflag:s14] =	ssyncadd.s32 $0xFFFFC000  }
0x21: {  	[spmem:s10] =	stream.linear.scatter [tilespmem:s13], [sflag:$0x1], $0x4000, $0x38;
	[tilespmem:$0xA880] =	vst v63  }
0x22: {  	_ =	swait.ge [sflag:s14], $0x4000  }
0x23: {  	[sflag:s14] =	ssyncset.done $0x0  }
0x24: {  	[sflag:s14] =	ssyncadd.s32 $0xFFFFC000  }
0x25: {  	[spmem:s11] =	stream.linear.scatter [tilespmem:s13], [sflag:$0x1], $0x4000, $0x38;
	[tilespmem:$0xA880] =	vst v63  }
0x26: {  	s17 =	sadd.s32 $0x0, s4;
	_ =	swait.ge [sflag:s14], $0x4000  }
0x27: {  	p1 =	sgt.u32 s17, $0x9C3;
	[sflag:s14] =	ssyncset.done $0x0  }
0x28: {  	p0 =	por p1, p1;
	s17 =	simm.s32 @!p1 $0x0;
	[sflag:s14] =	ssyncadd.s32 $0xFFFFC000  }
0x29: {  	s18 =	simm.s32 @!p1 $0xA800;
	s19 =	simm.s32 @!p0 $0x2;
	[bflag:$0x0] =	sbarrier.arrive $0xFFFF  }
0x2a: {  	[tilespmem:s18], [sflag:$0x2] =	stream.linear.gather @!p0 [hbm4b:s12+s17], $0x80, $0x38;
	[tilespmem:$0xA880] =	vst v63  }
0x2b: {  	_ =	swait.ge @!p0 [sflag:s19], $0x80  }
0x2c: {  	s31 =	sadd.s32 $0x20, s4;
	[sflag:s19] =	ssyncset.done @!p0 $0x0  }
0x2d: {  	s17 =	simm.s32 @!p0 $0x80;
	[sflag:s19] =	ssyncadd.s32 @!p0 $0xFFFFFF80;
	s19 =	simm.s32 @!p0 $0x6800  }
0x2e: {  	[spmem:s2] =	stream.indirect.scatter.add.f32 @!p0 [tilespmem:s19], [sflag:$0x1], $0x10, s18, s17, $0xb8;
	[tilespmem:$0xA880] =	vst v63  }
0x2f: {  	p1 =	sgt.u32 s31, $0x9C3;
	s19 =	simm.s32 @!p0 $0x1  }
0x30: {  	s18 =	simm.s32 $0x40;
	s17 =	sadd.s32 $0x200, s12;
	_ =	swait.ge @!p0 [sflag:s19], $0x800  }
.LBB2_4:
0x31: {  	s20 =	simm.s32 @!p1 $0x0  }
0x32: {  	s21 =	simm.s32 @!p1 $0xA800;
	[sflag:s19] =	ssyncset.done @!p0 $0x0;
	s22 =	smov.u32 s18  }
0x33: {  	p2 =	por p0, p0;
	p0 =	por p1, p1;
	s18 =	sadd.s32 $0x20, s18  }
0x34: {  	s23 =	simm.s32 @!p0 $0x2;
	[sflag:s19] =	ssyncadd.s32 @!p2 $0xFFFFF800;
	p2 =	sne.s32 s18, $0x9E0  }
0x35: {  	[tilespmem:s21], [sflag:$0x2] =	stream.linear.gather @!p0 [hbm4b:s17+s20], $0x80, $0x38;
	[tilespmem:$0xA880] =	vst v63  }
.Ltmp1:
0x36: {  	_ =	swait.ge @!p0 [sflag:s23], $0x80;
	(pc) =	sbr.rel @p2 .LBB2_4-.Ltmp1, $4  }
0x37: {  	s19 =	simm.s32 @!p0 $0x1;
	s20 =	sadd.s32 s22, s4;
	[sflag:s23] =	ssyncset.done @!p0 $0x0  }
0x38: {  	s22 =	simm.s32 @!p0 $0x80;
	[sflag:s23] =	ssyncadd.s32 @!p0 $0xFFFFFF80;
	s23 =	simm.s32 @!p0 $0x6800  }
0x39: {  	[spmem:s2] =	stream.indirect.scatter.add.f32 @!p0 [tilespmem:s23], [sflag:$0x1], $0x10, s21, s22, $0xb8;
	[tilespmem:$0xA880] =	vst v63  }
0x3a: {  	s17 =	sadd.s32 $0x200, s17;
	p1 =	sgt.u32 s20, $0x9C3;
	_ =	swait.ge @!p0 [sflag:s19], $0x800  }
0x3b: {  	s18 =	simm.s32 @!p1 $0x0  }
0x3c: {  	[sflag:s19] =	ssyncset.done @!p0 $0x0;
	p0 =	por p0, p0;
	p2 =	por p1, p1  }
0x3d: {  	s20 =	simm.s32 @!p1 $0xA800;
	s21 =	simm.s32 @!p2 $0x2;
	[sflag:s19] =	ssyncadd.s32 @!p0 $0xFFFFF800  }
0x3e: {  	[tilespmem:s20], [sflag:$0x2] =	stream.linear.gather @!p2 [hbm4b:s17+s18], $0x80, $0x38;
	[tilespmem:$0xA880] =	vst v63  }
0x3f: {  	_ =	swait.ge @!p2 [sflag:s21], $0x80  }
0x40: {  	s19 =	simm.s32 @!p2 $0x6800;
	[sflag:s21] =	ssyncset.done @!p2 $0x0  }
0x41: {  	s17 =	simm.s32 @!p2 $0x1;
	s18 =	simm.s32 @!p2 $0x80;
	[sflag:s21] =	ssyncadd.s32 @!p2 $0xFFFFFF80  }
0x42: {  	[spmem:s2] =	stream.indirect.scatter.add.f32 @!p2 [tilespmem:s19], [sflag:$0x1], $0x10, s20, s18, $0xb8;
	[tilespmem:$0xA880] =	vst v63  }
0x43: {  	_ =	swait.ge @!p2 [sflag:s17], $0x800  }
0x44: {  	s3 =	sadd.s32 $0x1, s3;
	p0 =	por p2, p2;
	[sflag:s17] =	ssyncset.done @!p2 $0x0  }
0x45: {  	[sflag:s17] =	ssyncadd.s32 @!p0 $0xFFFFF800;
	p0 =	sne.s32 s3, s7  }
.Ltmp2:
0x46: {  	[bflag:$0x0] =	sbarrier.arrive $0xFFFF;
	(pc) =	sbr.rel @p0 .LBB2_1-.Ltmp2, $4  }
0x47: {  	[hbm:s6], [sflag:s15] =	dma.local [spmem:s16], $0x2800  }
0x48: {  	_ =	swait.ge [sflag:s14], $0x2800  }
0x49: {  	[sflag:s14] =	ssyncset.done $0x0  }
0x4a: {  	[sflag:s14] =	ssyncadd.s32 $0xFFFFD800  }
0x4b: {  	_ =	sfence.sel $0x180000  }
0x4c: {  	[bflag:$0x0] =	sbarrier.arrive $0xFFFF  }
0x4d: {  	p0 =	sne.s32 s1, $0x0;
	_ =	strace $0x90000047  }
0x4e: {  	s0 =	sadd.s32 @!p0 $0x100000, s0;
	[bflag:$0x2] =	sbarrier.arrive $0xFFFF  }
0x4f: {  	[sflag:s0] =	ssyncadd.tile.s32 @!p0 $0x1;
	_ =	shalt  }
.Lfunc_end2:
_tile_overlayer_lowered:
.L_overlay_start_2:
0x50: {  	(tag) =	ssettag $0x2  }
0x51: {  	s0 =	rddreg [dreg:$0x0];
	s2 =	stileid.u32  }
0x52: {  	s1 =	rddreg [dreg:$0x1];
	p0 =	sne.s32 s2, $0x0  }
0x53: {  	s3 =	rddreg [dreg:$0x2];
	[bflag:$0x3] =	sbarrier.arrive $0xFFFF;
	s2 =	simm.s32 @!p0 $0x1C01  }
0x54: {  	[timem:s3], [sflag:s2] =	dma.local @!p0 [hbm:s0], s1  }
0x55: {  	s0 =	simm.s32 @!p0 $0x1  }
0x56: {  	_ =	swait.ge @!p0 [sflag:s0], s1  }
0x57: {  	s1 =	ssub.s32 @!p0 $0x0, s1;
	[sflag:s0] =	ssyncset.done @!p0 $0x0  }
0x58: {  	[sflag:s0] =	ssyncadd.s32 @!p0 s1  }
0x59: {  	[bflag:$0x3] =	sbarrier.arrive $0xFFFF  }
0x5a: {  	_ =	shalt  }

// kernel: kernel.9.cloned.1.call-start
scs
__scs_entry_jumppad:
0x0: {  	(pc) =	sbr.rel $0x88, $3  }
0x1: {  	(tag) =	ssettag $0x0;
	lr =	simm.s32 $0x1  }
0x2: {  	[smem:$0x3F9B] =	sst lr;
	_ =	strace $0xD0000000  }
0x3: {  	_ = 	snop  }
0x4: {  	_ = 	snop  }
0x5: {  	_ = 	snop  }
0x6: {  	_ = 	snop  }
0x7: {  	_ = 	snop  }
__scs_overlays_trampoline_lowered:
0x8: {  	[smem:$0x3FAA] =	sst s0  }
0x9: {  	[smem:$0x3FAB] =	sst s1  }
0xa: {  	[smem:$0x3FAC] =	sst s2  }
0xb: {  	[smem:$0x3FAD] =	sst s3  }
0xc: {  	[smem:$0x3FAE] =	sst s4  }
0xd: {  	[smem:$0x3FAF] =	sst s5  }
0xe: {  	[smem:$0x3FB0] =	sst s6  }
0xf: {  	[smem:$0x3FB1] =	sst s7  }
0x10: {  	[smem:$0x3FB2] =	sst s8  }
0x11: {  	[smem:$0x3FB3] =	sst s9;
	s0 =	simm.s32 @!p0 $0x0  }
0x12: {  	s1 =	sld [smem:$0x3F99];
	s0 =	simm.s32 @p0 $0x1  }
0x13: {  	[smem:$0x3FB4] =	sst s0;
	s0 =	simm.s32 @!p1 $0x0  }
0x14: {  	s2 =	sld [smem:$0x3F98];
	s0 =	simm.s32 @p1 $0x1  }
0x15: {  	[smem:$0x3FB5] =	sst s0;
	s0 =	simm.s32 @!p2 $0x0  }
0x16: {  	s3 =	sld [smem:$0x3FDB];
	s0 =	simm.s32 @p2 $0x1  }
0x17: {  	s4 =	simm.s32 $0x1BF5;
	[smem:$0x3FB7] =	sst s0  }
0x18: {  	s0 =	sld [smem:$0x3F9A];
	_ =	swait.ge [sflag:s4], $0x0  }
0x19: {  	s7 =	sld [smem:$0x3F9B]  }
0x1a: {  	s8 =	sadd.s32 $0xFFFFE003, lr  }
0x1b: {  	s9 =	sadd.s32 $0xFFFFFEF7, lr;
	s5 =	simm.s32 $0xFFFFFFFF;
	p2 =	slt.u32 s8, $0xFFFFF086  }
0x1c: {  	p1 =	slt.u32 s9, $0xF7A;
	s5 =	simm.s32 @!p2 $0x0  }
0x1d: {  	s5 =	simm.s32 @p1 $0x1;
	p0 =	seq.s32 s7, s2  }
0x1e: {  	s7 =	smul.u32 @!p0 $0xF7A, s2;
	p2 =	seq.s32 @!p0 s5, $0x0  }
0x1f: {  	s9 =	smul.u32 $0xF7A, s1;
	s8 =	simm.s32 @!p0 $0x1BF5;
	p2 =	por !p2, p0  }
0x20: {  	[sflag:s8] =	ssyncset.s32 @!p0 $0xFFFFF086;
	s6 =	sadd.s32 @!p0 s3, s7;
	s7 =	simm.s32 @!p0 $0x108  }
0x21: {  	s3 =	sadd.s32 s3, s9;
	s6 =	sadd.s32 @!p0 $0x88, s6;
	s7 =	simm.s32 @p2 $0x1082  }
0x22: {  	[simem:s7], [sflag:s8] =	dma.local @!p0 [hbm:s6], $0xF7A  }
0x23: {  	s9 =	sor.u32 $0xD0000000, s2;
	s6 =	simm.s32 $0x108;
	_ =	swait.ge @!p0 [sflag:s8], $0x0  }
0x24: {  	s3 =	sadd.s32 $0x88, s3;
	s6 =	simm.s32 @!p1 $0x1082;
	[sflag:s4] =	ssyncset.s32 $0xFFFFF086  }
0x25: {  	[simem:s6], [sflag:s4] =	dma.local [hbm:s3], $0xF7A  }
0x26: {  	[smem:$0x3F9B] =	sst s1;
	(tag) =	ssettag s2;
	_ =	strace s9  }
0x27: {  	s1 =	sld [smem:$0x3FAB]  }
0x28: {  	s2 =	sld [smem:$0x3FAC]  }
0x29: {  	s4 =	sld [smem:$0x3FAE]  }
0x2a: {  	p0 =	seq.s32 s5, $0x0;
	s5 =	sld [smem:$0x3FAF]  }
0x2b: {  	s6 =	sld [smem:$0x3FB0]  }
0x2c: {  	s7 =	sld [smem:$0x3FB1]  }
0x2d: {  	s3 =	simm.s32 $0x108;
	s8 =	sld [smem:$0x3FB2]  }
0x2e: {  	s3 =	simm.s32 @!p0 $0x1082;
	s9 =	sld [smem:$0x3FB3]  }
0x2f: {  	lr =	sadd.s32 s0, s3;
	s0 =	sld [smem:$0x3FAA]  }
0x30: {  	s3 =	sld [smem:$0x3FAD]  }
0x31: {  	[smem:$0x3FB6] =	sst s10  }
0x32: {  	s10 =	sld [smem:$0x3FB4];
	_ =	sdelay $0x3  }
0x33: {  	p0 =	seq.s32 s10, $0x1;
	s10 =	sld [smem:$0x3FB6];
	_ =	sdelay $0x3  }
0x34: {  	[smem:$0x3FB6] =	sst s10  }
0x35: {  	s10 =	sld [smem:$0x3FB5];
	_ =	sdelay $0x3  }
0x36: {  	p1 =	seq.s32 s10, $0x1;
	s10 =	sld [smem:$0x3FB6];
	_ =	sdelay $0x3  }
0x37: {  	[smem:$0x3FB6] =	sst s10  }
0x38: {  	s10 =	sld [smem:$0x3FB7]  }
0x39: {  	_ = 	snop;
	(pc) =	sbr.ind lr, $3  }
0x3a: {  	_ = 	snop  }
0x3b: {  	_ = 	snop  }
0x3c: {  	p2 =	seq.s32 s10, $0x1;
	s10 =	sld [smem:$0x3FB6]  }
0x3d: {  	_ =	shalt  }
0x3e: {  	_ =	shalt  }
0x3f: {  	_ =	shalt  }
0x40: {  	_ =	shalt  }
0x41: {  	_ =	shalt  }
0x42: {  	_ =	shalt  }
0x43: {  	_ =	shalt  }
0x44: {  	_ =	shalt  }
0x45: {  	_ =	shalt  }
0x46: {  	_ =	shalt  }
0x47: {  	_ =	shalt  }
0x48: {  	_ =	shalt  }
0x49: {  	_ =	shalt  }
0x4a: {  	_ =	shalt  }
0x4b: {  	_ =	shalt  }
0x4c: {  	_ =	shalt  }
0x4d: {  	_ =	shalt  }
0x4e: {  	_ =	shalt  }
0x4f: {  	_ =	shalt  }
0x50: {  	_ =	shalt  }
0x51: {  	_ =	shalt  }
0x52: {  	_ =	shalt  }
0x53: {  	_ =	shalt  }
0x54: {  	_ =	shalt  }
0x55: {  	_ =	shalt  }
0x56: {  	_ =	shalt  }
0x57: {  	_ =	shalt  }
0x58: {  	_ =	shalt  }
0x59: {  	_ =	shalt  }
0x5a: {  	_ =	shalt  }
0x5b: {  	_ =	shalt  }
0x5c: {  	_ =	shalt  }
0x5d: {  	_ =	shalt  }
0x5e: {  	_ =	shalt  }
0x5f: {  	_ =	shalt  }
0x60: {  	_ =	shalt  }
0x61: {  	_ =	shalt  }
0x62: {  	_ =	shalt  }
0x63: {  	_ =	shalt  }
0x64: {  	_ =	shalt  }
0x65: {  	_ =	shalt  }
0x66: {  	_ =	shalt  }
0x67: {  	_ =	shalt  }
0x68: {  	_ =	shalt  }
0x69: {  	_ =	shalt  }
0x6a: {  	_ =	shalt  }
0x6b: {  	_ =	shalt  }
0x6c: {  	_ =	shalt  }
0x6d: {  	_ =	shalt  }
0x6e: {  	_ =	shalt  }
0x6f: {  	_ =	shalt  }
0x70: {  	_ =	shalt  }
0x71: {  	_ =	shalt  }
0x72: {  	_ =	shalt  }
0x73: {  	_ =	shalt  }
0x74: {  	_ =	shalt  }
0x75: {  	_ =	shalt  }
0x76: {  	_ =	shalt  }
0x77: {  	_ =	shalt  }
0x78: {  	_ =	shalt  }
0x79: {  	_ =	shalt  }
0x7a: {  	_ =	shalt  }
0x7b: {  	_ =	shalt  }
0x7c: {  	_ =	shalt  }
0x7d: {  	_ =	shalt  }
0x7e: {  	_ =	shalt  }
0x7f: {  	_ =	shalt  }
0x80: {  	_ =	shalt  }
0x81: {  	_ =	shalt  }
0x82: {  	_ =	shalt  }
0x83: {  	_ =	shalt  }
0x84: {  	_ =	shalt  }
0x85: {  	_ =	shalt  }
0x86: {  	_ =	shalt  }
0x87: {  	_ =	shalt  }
.Lfunc_end0:
.L_simem_size_0:
called_computation.1_lowered:
.L_overlay_start_0:
0x88: {  	s2 =	sld [smem:$0x3FD9]  }
0x89: {  	s3 =	sld [smem:$0x3FFE];
	_ =	sdelay $0x1  }
0x8a: {  	s1 =	srdreg.scid  }
0x8b: {  	s0 =	sand.u32 $0x1, s1  }
0x8c: {  	s14 =	sshll.u32 s0, $0xA;
	s2 =	sadd.s32 s3, s2  }
0x8d: {  	s2 =	sadd.s32 s2, s14  }
0x8e: {  	[smem:$0x3FC2] =	sst s2  }
0x8f: {  	_ = 	snop  }
0x90: {  	s2 =	sld [smem:$0x3FD0];
	_ =	sdelay $0x2  }
0x91: {  	s15 =	simm.s32 $0xA;
	s4 =	simm.s32 $0x10  }
0x92: {  	[smem:s4], [sflag:s15] =	dma.local [hbm:s2], $0x1  }
0x93: {  	_ =	swait.eq [sflag:s15], $0x1  }
0x94: {  	[sflag:s15] =	ssyncset.done $0x0  }
0x95: {  	s16 =	sld [smem:$0x10];
	[sflag:s15] =	ssyncadd.s32 $0xFFFFFFFF  }
0x96: {  	s17 =	sld [smem:$0x11];
	(tm) =	ssettm $0x1  }
0x97: {  	s18 =	sld [smem:$0x3FFB];
	_ =	sdelay $0x3  }
0x98: {  	_ =	strace s18  }
0x99: {  	s4 =	sld [smem:$0x3FFC];
	_ =	sdelay $0x3  }
0x9a: {  	_ =	strace s4  }
0x9b: {  	s4 =	sld [smem:$0x3FFD];
	_ =	sdelay $0x3  }
0x9c: {  	_ =	strace s4  }
0x9d: {  	_ =	strace $0x8FFFFFFF  }
0x9e: {  	s19 =	sld [smem:$0x3FDB];
	_ =	sdelay $0x1  }
0x9f: {  	s5 =	simm.s32 $_scs_section_size  }
0xa0: {  	s6 =	simm.s32 $_size__tile_overlayer_lowered;
	s7 =	simm.s32 $_tile_overlayer_lowered  }
0xa1: {  	s22 =	simm.s32 $0x1BFF;
	s21 =	sshll.u32 s7, $0x1;
	s4 =	sadd.s32 s5, s19  }
0xa2: {  	s8 =	simm.s32 $0x0;
	s20 =	sshll.u32 s6, $0x1;
	s6 =	sadd.s32 s21, s4  }
0xa3: {  	[timem:s8], [sflag:s22] =	dma.local [hbm:s6], s20  }
0xa4: {  	_ =	swait.ge [sflag:s22], s20  }
0xa5: {  	s5 =	ssub.s32 $0x0, s20;
	[sflag:s22] =	ssyncset.done $0x0  }
0xa6: {  	[sflag:s22] =	ssyncadd.s32 s5;
	_ =	sdelay $0x1  }
0xa7: {  	s23 =	simm.s32 $0x1B8B  }
0xa8: {  	_ =	swait.ge [sflag:s23], $0x1  }
0xa9: {  	[sflag:s23] =	ssyncset.done $0x0  }
0xaa: {  	s25 =	simm.s32 $0x1B8E;
	s24 =	sld [smem:$0x3FFE];
	[sflag:s23] =	ssyncadd.s32 $0xFFFFFFFF  }
0xab: {  	s26 =	simm.s32 $execute0_lowered;
	[smem:$0x3FD2] =	sst s25  }
0xac: {  	s6 =	sshll.u32 s26, $0x1;
	_ =	strace $0x80000049;
	[dreg:$0x1] =	wrdreg $0xFFFFFFFF  }
0xad: {  	s28 =	simm.s32 $_size_execute0_lowered;
	s4 =	sadd.s32 s4, s6;
	[dreg:$0x0] =	wrdreg $0x0  }
0xae: {  	s6 =	sshll.u32 s28, $0x1;
	[dreg:$0x2] =	wrdreg s4  }
0xaf: {  	[dreg:$0x3] =	wrdreg s6  }
0xb0: {  	[dreg:$0x4] =	wrdreg $0xC0  }
0xb1: {  	_ =	task [dreg:s8], $0x5FFFF  }
0xb2: {  	[dreg:$0x1] =	wrdreg $0xFFFFFFFF  }
0xb3: {  	[dreg:$0x0] =	wrdreg $0x60  }
0xb4: {  	[dreg:$0x2] =	wrdreg s16  }
0xb5: {  	[dreg:$0x3] =	wrdreg s17  }
0xb6: {  	[dreg:$0x4] =	wrdreg s24  }
0xb7: {  	[dreg:$0x5] =	wrdreg $0x0  }
0xb8: {  	[dreg:$0x6] =	wrdreg $0x9  }
0xb9: {  	_ =	task.clear_ibuf [dreg:s8], $0x7FFFF;
	_ =	strace $0x90000049  }
0xba: {  	s29 =	simm.s32 $0x9;
	_ =	strace $0x8000004B  }
0xbb: {  	_ =	swait.ge [sflag:s29], $0x1  }
0xbc: {  	[sflag:s29] =	ssyncadd.s32 $0xFFFFFFFF  }
0xbd: {  	_ =	strace $0x9000004B  }
0xbe: {  	_ =	sfence  }
0xbf: {  	s30 =	sld [smem:$0x0];
	_ =	sdelay $0x2  }
0xc0: {  	s31 =	sshll.u32 s1, $0xD;
	s1 =	sshrl.u32 s1, $0x2  }
0xc1: {  	s3 =	sand.u32 $0x4000, s31;
	s1 =	sadd.s32 s1, s30  }
0xc2: {  	s0 =	sor.u32 s3, s0;
	s1 =	sshll.u32 s1, $0x11  }
0xc3: {  	s0 =	sor.u32 s1, s0  }
0xc4: {  	s0 =	sadd.s32 $0x8F2B, s0  }
0xc5: {  	[sflag:s0] =	ssyncadd.remote.s32 $0x1  }
0xc6: {  	_ =	sfence.sel $0xFFFF  }
0xc7: {  	[dreg:$0x0] =	wrdreg $0xFFFFFFFF;
	(pc) =	sbr.abs _section_cstart, $3  }
0xc8: {  	[dreg:$0x1] =	wrdreg $0xFFFFFFFF  }
0xc9: {  	_ =	task.clear_ibuf [dreg:s8], $0x2FFFF;
	_ =	strace $0x9FFFFFFF  }
0xca: {  	(tm) =	ssettm $0x7FFFFFFF  }
0xcb: {  	_ =	shalt  }
tec
execute0_lowered:
.L_overlay_start_1:
0x0: {  	(tag) =	ssettag $0x1  }
0x1: {  	s14 =	rddreg [dreg:$0x0]  }
0x2: {  	s12 =	rddreg [dreg:$0x1]  }
0x3: {  	s5 =	rddreg [dreg:$0x2]  }
0x4: {  	s1 =	rddreg [dreg:$0x3];
	s2 =	srdreg.scid  }
0x5: {  	s3 =	simm.s32 $0x0;
	s13 =	sand.u32 $0x1, s2;
	s2 =	stileid.u32  }
0x6: {  	[smem:$0x7FF] =	sst s3;
	s4 =	smul.u32 $0x28000, s13  }
0x7: {  	s0 =	rddreg [dreg:$0x4];
	s6 =	smul.u32 $0x2800, s2;
	_ =	strace $0x8000004A  }
0x8: {  	s7 =	ssub.s32 $0x2, s13;
	s8 =	smul.u32 $0x50000, s2;
	s15 =	sshll.u32 s2, $0x5  }
0x9: {  	s17 =	sshll.u32 s13, $0x4;
	s30 =	sshrl.u32 s7, $0x1;
	s16 =	sadd.s32 s15, s12  }
0xa: {  	s14 =	sadd.s32 s15, s14;
	s15 =	simm.s32 $0x14000;
	s6 =	sadd.s32 s6, s4  }
0xb: {  	s4 =	sadd.s32 $0x51E00, s5;
	s10 =	ssub.s32 s7, s30;
	s31 =	sshrl.u32 s8, $0x2  }
0xc: {  	s13 =	sadd.s32 s17, s16;
	s14 =	sadd.s32 s17, s14;
	s16 =	simm.s32 $0x2  }
0xd: {  	s9 =	sadd.s32 s6, s5;
	s5 =	sshll.u32 s2, $0x1;
	s6 =	sadd.s32 s31, s1  }
0xe: {  	s8 =	smax.u32 s10, $0x1;
	s7 =	sadd.s32 $0x79000, s9;
	s9 =	sadd.s32 $0x4000, s6  }
0xf: {  	v0 =	vimm.f32 $0.0e+00;
	s10 =	sadd.s32 $0x8000, s6;
	s11 =	sadd.s32 $0xC000, s6;
	s12 =	sadd.s32 $0x10000, s6  }
.LBB2_1:
0x10: {  	s17 =	simm.s32 $0x0;
	s18 =	simm.s32 $0x200  }
.LBB2_2:
0x11: {  	p0 =	sne.s32 s18, $0xFE00;
	[tilespmem:s17+$0x14070] =	vst v0  }
0x12: {  	[tilespmem:s17+$0x14000] =	vst v0  }
0x13: {  	[tilespmem:s17+$0x14010] =	vst v0  }
.Ltmp0:
0x14: {  	[tilespmem:s17+$0x14020] =	vst v0;
	(pc) =	sbr.rel @p0 .LBB2_2-.Ltmp0, $4  }
0x15: {  	[tilespmem:s17+$0x14030] =	vst v0  }
0x16: {  	[tilespmem:s17+$0x14040] =	vst v0  }
0x17: {  	[tilespmem:s17+$0x14050] =	vst v0  }
0x18: {  	[tilespmem:s17+$0x14060] =	vst v0;
	s17 =	sshra.s32 s18, $0x2;
	s18 =	sadd.s32 $0x200, s18  }
0x19: {  	[tilespmem:s17+$0x14070] =	vst v0  }
0x1a: {  	[tilespmem:s17+$0x14000] =	vst v0  }
0x1b: {  	[tilespmem:s17+$0x14010] =	vst v0  }
0x1c: {  	[tilespmem:s17+$0x14020] =	vst v0  }
0x1d: {  	[tilespmem:s17+$0x14030] =	vst v0  }
0x1e: {  	[tilespmem:s17+$0x14040] =	vst v0  }
0x1f: {  	[tilespmem:s17+$0x14050] =	vst v0  }
0x20: {  	[tilespmem:s17+$0x14060] =	vst v0  }
0x21: {  	[spmem:s6] =	stream.linear.scatter [tilespmem:s15], [sflag:$0x2], $0x4000, $0x38;
	[tilespmem:$0x1C100] =	vst v63  }
0x22: {  	_ =	swait.ge [sflag:s16], $0x4000  }
0x23: {  	[sflag:s16] =	ssyncset.done $0x0  }
0x24: {  	[sflag:s16] =	ssyncadd.s32 $0xFFFFC000  }
0x25: {  	[spmem:s9] =	stream.linear.scatter [tilespmem:s15], [sflag:$0x2], $0x4000, $0x38;
	[tilespmem:$0x1C100] =	vst v63  }
0x26: {  	_ =	swait.ge [sflag:s16], $0x4000  }
0x27: {  	[sflag:s16] =	ssyncset.done $0x0  }
0x28: {  	[sflag:s16] =	ssyncadd.s32 $0xFFFFC000  }
0x29: {  	[spmem:s10] =	stream.linear.scatter [tilespmem:s15], [sflag:$0x2], $0x4000, $0x38;
	[tilespmem:$0x1C100] =	vst v63  }
0x2a: {  	_ =	swait.ge [sflag:s16], $0x4000  }
0x2b: {  	[sflag:s16] =	ssyncset.done $0x0  }
0x2c: {  	[sflag:s16] =	ssyncadd.s32 $0xFFFFC000  }
0x2d: {  	[spmem:s11] =	stream.linear.scatter [tilespmem:s15], [sflag:$0x2], $0x4000, $0x38;
	[tilespmem:$0x1C100] =	vst v63  }
0x2e: {  	_ =	swait.ge [sflag:s16], $0x4000  }
0x2f: {  	[sflag:s16] =	ssyncset.done $0x0  }
0x30: {  	[sflag:s16] =	ssyncadd.s32 $0xFFFFC000  }
0x31: {  	[spmem:s12] =	stream.linear.scatter [tilespmem:s15], [sflag:$0x2], $0x4000, $0x38;
	[tilespmem:$0x1C100] =	vst v63  }
0x32: {  	_ =	swait.ge [sflag:s16], $0x4000  }
0x33: {  	p0 =	sgt.u32 s5, $0x9C3;
	[sflag:s16] =	ssyncset.done $0x0  }
0x34: {  	s17 =	sadd.s32 @!p0 $0x0, s14;
	s18 =	simm.s32 @!p0 $0x0;
	[sflag:s16] =	ssyncadd.s32 $0xFFFFC000  }
0x35: {  	s19 =	simm.s32 @!p0 $0x18000;
	s20 =	simm.s32 @!p0 $0x3;
	[bflag:$0x0] =	sbarrier.arrive $0xFFFF  }
0x36: {  	[tilespmem:s19], [sflag:$0x3] =	stream.linear.gather @!p0 [hbm4b:s17+s18], $0x80, $0x38;
	[tilespmem:$0x1C100] =	vst v63  }
0x37: {  	_ =	swait.ge @!p0 [sflag:s20], $0x80  }
0x38: {  	[sflag:s20] =	ssyncset.done @!p0 $0x0  }
0x39: {  	s21 =	simm.s32 @!p0 $0x18080;
	s17 =	sadd.s32 @!p0 $0x0, s13;
	[sflag:s20] =	ssyncadd.s32 @!p0 $0xFFFFFF80  }
0x3a: {  	[tilespmem:s21], [sflag:$0x3] =	stream.linear.gather @!p0 [hbm4b:s17+s18], $0x80, $0x38;
	[tilespmem:$0x1C100] =	vst v63  }
0x3b: {  	_ =	swait.ge @!p0 [sflag:s20], $0x80;
	p0 =	por p0, p0  }
0x3c: {  	[sflag:s20] =	ssyncset.done @!p0 $0x0;
	s17 =	simm.s32 @!p0 $0x80  }
0x3d: {  	s18 =	simm.s32 @!p0 $0x18100;
	[sflag:s20] =	ssyncadd.s32 @!p0 $0xFFFFFF80;
	s20 =	simm.s32 @!p0 $0x1  }
0x3e: {  	[tilespmem:s18], [sflag:$0x1] =	stream.indirect.gather @!p0 [hbm4b:s4+s17], $0x80, s19, s17, $0xb8;
	[tilespmem:$0x1C100] =	vst v63  }
0x3f: {  	_ =	swait.ge @!p0 [sflag:s20], $0x4000  }
0x40: {  	[sflag:s20] =	ssyncset.done @!p0 $0x0  }
0x41: {  	[sflag:s20] =	ssyncadd.s32 @!p0 $0xFFFFC000  }
0x42: {  	[spmem:s1] =	stream.indirect.scatter.add.f32 @!p0 [tilespmem:s18], [sflag:$0x2], $0x80, s21, s17, $0xb8;
	[tilespmem:$0x1C100] =	vst v63  }
0x43: {  	s19 =	simm.s32 $0x400;
	s20 =	simm.s32 @!p0 $0x2;
	s18 =	sadd.s32 $0x20, s5  }
0x44: {  	s17 =	simm.s32 $0x200;
	p1 =	sgt.u32 s18, $0x9C3;
	_ =	swait.ge @!p0 [sflag:s20], $0x4000  }
.LBB2_4:
0x45: {  	s21 =	sadd.s32 @!p1 s17, s14;
	s22 =	simm.s32 @!p1 $0x0;
	[sflag:s20] =	ssyncset.done @!p0 $0x0  }
0x46: {  	s23 =	simm.s32 @!p1 $0x18000;
	s24 =	simm.s32 @!p1 $0x3;
	[sflag:s20] =	ssyncadd.s32 @!p0 $0xFFFFC000  }
0x47: {  	[tilespmem:s23], [sflag:$0x3] =	stream.linear.gather @!p1 [hbm4b:s21+s22], $0x80, $0x38;
	[tilespmem:$0x1C100] =	vst v63  }
0x48: {  	s20 =	smov.u32 s19;
	s19 =	sadd.s32 $0x200, s19;
	_ =	swait.ge @!p1 [sflag:s24], $0x80  }
0x49: {  	s25 =	simm.s32 @!p1 $0x18080;
	s21 =	sadd.s32 @!p1 s17, s13;
	[sflag:s24] =	ssyncset.done @!p1 $0x0  }
0x4a: {  	p2 =	sne.s32 s19, $0x9E00;
	s17 =	smov.u32 s20;
	[sflag:s24] =	ssyncadd.s32 @!p1 $0xFFFFFF80  }
0x4b: {  	[tilespmem:s25], [sflag:$0x3] =	stream.linear.gather @!p1 [hbm4b:s21+s22], $0x80, $0x38;
	[tilespmem:$0x1C100] =	vst v63  }
0x4c: {  	p0 =	por p1, p1;
	_ =	swait.ge @!p1 [sflag:s24], $0x80  }
0x4d: {  	s21 =	simm.s32 @!p0 $0x80;
	s22 =	simm.s32 @!p0 $0x18100;
	[sflag:s24] =	ssyncset.done @!p0 $0x0  }
0x4e: {  	s20 =	simm.s32 @!p0 $0x1;
	[sflag:s24] =	ssyncadd.s32 @!p0 $0xFFFFFF80  }
0x4f: {  	[tilespmem:s22], [sflag:$0x1] =	stream.indirect.gather @!p0 [hbm4b:s4+s21], $0x80, s23, s21, $0xb8;
	[tilespmem:$0x1C100] =	vst v63  }
.Ltmp1:
0x50: {  	_ =	swait.ge @!p0 [sflag:s20], $0x4000;
	(pc) =	sbr.rel @p2 .LBB2_4-.Ltmp1, $4  }
0x51: {  	[sflag:s20] =	ssyncset.done @!p0 $0x0  }
0x52: {  	s18 =	sadd.s32 $0x20, s18;
	[sflag:s20] =	ssyncadd.s32 @!p0 $0xFFFFC000;
	s20 =	simm.s32 @!p0 $0x2  }
0x53: {  	[spmem:s1] =	stream.indirect.scatter.add.f32 @!p0 [tilespmem:s22], [sflag:$0x2], $0x80, s25, s21, $0xb8;
	[tilespmem:$0x1C100] =	vst v63  }
0x54: {  	p1 =	sgt.u32 s18, $0x9C3;
	_ =	swait.ge @!p0 [sflag:s20], $0x4000  }
0x55: {  	s18 =	sadd.s32 @!p1 s17, s14;
	s19 =	simm.s32 @!p1 $0x0;
	[sflag:s20] =	ssyncset.done @!p0 $0x0  }
0x56: {  	s21 =	simm.s32 @!p1 $0x18000;
	s22 =	simm.s32 @!p1 $0x3;
	[sflag:s20] =	ssyncadd.s32 @!p0 $0xFFFFC000  }
0x57: {  	[tilespmem:s21], [sflag:$0x3] =	stream.linear.gather @!p1 [hbm4b:s18+s19], $0x80, $0x38;
	[tilespmem:$0x1C100] =	vst v63  }
0x58: {  	_ =	swait.ge @!p1 [sflag:s22], $0x80  }
0x59: {  	[sflag:s22] =	ssyncset.done @!p1 $0x0  }
0x5a: {  	s17 =	sadd.s32 @!p1 s17, s13;
	s18 =	simm.s32 @!p1 $0x18080;
	[sflag:s22] =	ssyncadd.s32 @!p1 $0xFFFFFF80  }
0x5b: {  	[tilespmem:s18], [sflag:$0x3] =	stream.linear.gather @!p1 [hbm4b:s17+s19], $0x80, $0x38;
	[tilespmem:$0x1C100] =	vst v63  }
0x5c: {  	p0 =	por p1, p1;
	_ =	swait.ge @!p1 [sflag:s22], $0x80  }
0x5d: {  	s20 =	simm.s32 @!p0 $0x1;
	[sflag:s22] =	ssyncset.done @!p0 $0x0  }
0x5e: {  	s17 =	simm.s32 @!p0 $0x80;
	s19 =	simm.s32 @!p0 $0x18100;
	[sflag:s22] =	ssyncadd.s32 @!p0 $0xFFFFFF80  }
0x5f: {  	[tilespmem:s19], [sflag:$0x1] =	stream.indirect.gather @!p0 [hbm4b:s4+s17], $0x80, s21, s17, $0xb8;
	[tilespmem:$0x1C100] =	vst v63  }
0x60: {  	_ =	swait.ge @!p0 [sflag:s20], $0x4000  }
0x61: {  	[sflag:s20] =	ssyncset.done @!p0 $0x0  }
0x62: {  	[sflag:s20] =	ssyncadd.s32 @!p0 $0xFFFFC000;
	s20 =	simm.s32 @!p0 $0x2  }
0x63: {  	[spmem:s1] =	stream.indirect.scatter.add.f32 @!p0 [tilespmem:s19], [sflag:$0x2], $0x80, s18, s17, $0xb8;
	[tilespmem:$0x1C100] =	vst v63  }
0x64: {  	_ =	swait.ge @!p0 [sflag:s20], $0x4000  }
0x65: {  	s30 =	sshll.u32 s2, $0x6;
	s3 =	sadd.s32 $0x1, s3;
	[sflag:s20] =	ssyncset.done @!p0 $0x0  }
0x66: {  	s31 =	sshrl.u32 s6, $0x3;
	[sflag:s20] =	ssyncadd.s32 @!p0 $0xFFFFC000;
	p0 =	sne.s32 s3, s8  }
.Ltmp2:
0x67: {  	s17 =	sor.u32 $0x1C02, s30;
	[bflag:$0x0] =	sbarrier.arrive $0xFFFF;
	(pc) =	sbr.rel @p0 .LBB2_1-.Ltmp2, $4  }
0x68: {  	[hbm:s7], [sflag:s17] =	dma.local [spmem:s31], $0x2800  }
0x69: {  	_ =	swait.ge [sflag:s16], $0x2800  }
0x6a: {  	[sflag:s16] =	ssyncset.done $0x0  }
0x6b: {  	[sflag:s16] =	ssyncadd.s32 $0xFFFFD800  }
0x6c: {  	_ =	sfence.sel $0x180000  }
0x6d: {  	[bflag:$0x0] =	sbarrier.arrive $0xFFFF  }
0x6e: {  	p0 =	sne.s32 s2, $0x0;
	_ =	strace $0x9000004A  }
0x6f: {  	s0 =	sadd.s32 @!p0 $0x100000, s0;
	[bflag:$0x2] =	sbarrier.arrive $0xFFFF  }
0x70: {  	[sflag:s0] =	ssyncadd.tile.s32 @!p0 $0x1;
	_ =	shalt  }
.Lfunc_end2:
_tile_overlayer_lowered:
.L_overlay_start_2:
0x71: {  	(tag) =	ssettag $0x2  }
0x72: {  	s0 =	rddreg [dreg:$0x0];
	s2 =	stileid.u32  }
0x73: {  	s1 =	rddreg [dreg:$0x1];
	p0 =	sne.s32 s2, $0x0  }
0x74: {  	s3 =	rddreg [dreg:$0x2];
	[bflag:$0x3] =	sbarrier.arrive $0xFFFF;
	s2 =	simm.s32 @!p0 $0x1C02  }
0x75: {  	[timem:s3], [sflag:s2] =	dma.local @!p0 [hbm:s0], s1  }
0x76: {  	s0 =	simm.s32 @!p0 $0x2  }
0x77: {  	_ =	swait.ge @!p0 [sflag:s0], s1  }
0x78: {  	s1 =	ssub.s32 @!p0 $0x0, s1;
	[sflag:s0] =	ssyncset.done @!p0 $0x0  }
0x79: {  	[sflag:s0] =	ssyncadd.s32 @!p0 s1  }
0x7a: {  	[bflag:$0x3] =	sbarrier.arrive $0xFFFF  }
0x7b: {  	_ =	shalt  }

</sc_bundles>
